<compile_context>
chip_gen: v7x
topology: tpu7x:2x2x1
jax: 0.10.2.dev20260603
libtpu: 0.0.44.dev20260713+nightly
codegen_flags: <defaults>
</compile_context>

<pallas_src>
import functools

import jax
import jax.numpy as jnp
from jax import lax
from jax.experimental import pallas as pl
from jax.experimental.pallas import tpu as pltpu
from jax.experimental.pallas import tpu_sc as plsc

S = 128
HID = 768
INTER = 768
NEXP = 16
LIMIT = 7.0
EPS = 1e-05
ALPHA = 1.702

_SC_CORES = 2
_SC_SUBCORES = 16
_SC_WORKERS = _SC_CORES * _SC_SUBCORES
_TOK_PER_W = S // _SC_WORKERS


def _bf16_rne(v):
    u = lax.bitcast_convert_type(v, jnp.uint32)
    lsb = jnp.right_shift(u, jnp.uint32(16)) & jnp.uint32(1)
    r = (u + jnp.uint32(0x7FFF) + lsb) & jnp.uint32(0xFFFF0000)
    return lax.bitcast_convert_type(r, jnp.float32)


def _norm_gate_body(x_ref, nw_ref, gw_ref, gb_ref, normed_ref, logits_ref):
    xf = _bf16_rne(x_ref[...])
    rms = jnp.mean(jnp.square(xf), axis=-1, keepdims=True)
    normed_f = _bf16_rne(xf * lax.rsqrt(rms + jnp.float32(EPS)) * nw_ref[...])
    normed_ref[...] = normed_f.astype(jnp.bfloat16)
    gl = lax.dot_general(
        normed_f, gw_ref[...].astype(jnp.float32),
        dimension_numbers=(((1,), (1,)), ((), ())),
        precision=lax.Precision.HIGHEST,
        preferred_element_type=jnp.float32,
    ) + gb_ref[...].astype(jnp.float32)
    logits_ref[...] = _bf16_rne(gl)


def _lanes_max(v, iot):
    for sh in (1, 2, 4, 8):
        perm = jnp.bitwise_xor(iot, jnp.int32(sh))
        v = jnp.maximum(v, v.at[perm].get(mode="promise_in_bounds"))
    return v


def _lanes_min(v, iot):
    for sh in (1, 2, 4, 8):
        perm = jnp.bitwise_xor(iot, jnp.int32(sh))
        v = jnp.minimum(v, v.at[perm].get(mode="promise_in_bounds"))
    return v


def _first_sel(v, m, iot):
    cand = jnp.where(v == m, iot, jnp.full((NEXP,), jnp.int32(NEXP)))
    return iot == _lanes_min(cand, iot)


def _routing_sc_body(logits_hbm, w_hbm, logit_v, out_v):
    wid = lax.axis_index("s") * _SC_CORES + lax.axis_index("c")
    base = wid * _TOK_PER_W
    pltpu.sync_copy(logits_hbm.at[pl.ds(base, _TOK_PER_W)], logit_v)
    iot = lax.broadcasted_iota(jnp.int32, (NEXP,), 0)
    for i in range(_TOK_PER_W):
        v = logit_v[i, :]
        m1 = _lanes_max(v, iot)
        sel1 = _first_sel(v, m1, iot)
        v2 = jnp.where(sel1, jnp.float32(-1e30), v)
        m2 = _lanes_max(v2, iot)
        sel2 = _first_sel(v2, m2, iot)
        e2 = jnp.exp(m2 - m1)
        denom = jnp.float32(1.0) + e2
        w1 = jnp.float32(1.0) / denom
        w2 = e2 / denom
        zero = jnp.zeros((NEXP,), jnp.float32)
        out_v[i, :] = jnp.where(sel1, w1, zero) + jnp.where(sel2, w2, zero)
    pltpu.sync_copy(out_v, w_hbm.at[pl.ds(base, _TOK_PER_W)])


def _routing_call():
    return functools.partial(
        pl.kernel,
        mesh=plsc.VectorSubcoreMesh(core_axis_name="c", subcore_axis_name="s"),
        out_type=jax.ShapeDtypeStruct((S, NEXP), jnp.float32),
        scratch_types=[
            pltpu.VMEM((_TOK_PER_W, NEXP), jnp.float32),
            pltpu.VMEM((_TOK_PER_W, NEXP), jnp.float32),
        ],
    )(_routing_sc_body)


def _expert_body(normed_ref, w_ref, x_ref, w1a_ref, w1b_ref, w1c_ref,
                 w1d_ref, b1g_ref, b1l_ref, w2a_ref, w2b_ref, b2_ref,
                 out_ref, acc_ref, proj_ref):
    e = pl.program_id(0)

    @pl.when(e == 0)
    def _():
        acc_ref[...] = jnp.zeros_like(acc_ref)

    nb = normed_ref[...]
    q = INTER // 2
    for k, wr in enumerate((w1a_ref, w1b_ref, w1c_ref, w1d_ref)):
        proj_ref[k * q:(k + 1) * q, :] = lax.dot_general(
            wr[0], nb,
            dimension_numbers=(((1,), (1,)), ((), ())),
            preferred_element_type=jnp.float32,
        )
    x_glu = proj_ref[0::2, :] + b1g_ref[0].astype(jnp.float32)
    x_lin = proj_ref[1::2, :] + b1l_ref[0].astype(jnp.float32)
    x_glu = jnp.minimum(x_glu, jnp.float32(LIMIT))
    x_lin = jnp.clip(x_lin, -jnp.float32(LIMIT), jnp.float32(LIMIT))
    act = x_glu * jax.nn.sigmoid(jnp.float32(ALPHA) * x_glu) * (
        x_lin + jnp.float32(1.0))
    actb = act.astype(jnp.bfloat16)
    proj2 = jnp.concatenate([
        lax.dot_general(
            actb, w2a_ref[0],
            dimension_numbers=(((0,), (1,)), ((), ())),
            preferred_element_type=jnp.float32,
        ),
        lax.dot_general(
            actb, w2b_ref[0],
            dimension_numbers=(((0,), (1,)), ((), ())),
            preferred_element_type=jnp.float32,
        ),
    ], axis=1) + b2_ref[0].astype(jnp.float32)

    wv = w_ref[...]
    onehot = lax.broadcasted_iota(jnp.int32, (S, NEXP), 1) == e
    wcol = jnp.sum(jnp.where(onehot, wv, jnp.float32(0.0)), axis=1,
                   keepdims=True)
    acc_ref[...] += proj2 * wcol

    @pl.when(e == NEXP - 1)
    def _():
        out_ref[...] = (_bf16_rne(x_ref[...]) +
                        _bf16_rne(acc_ref[...])).astype(jnp.bfloat16)


def kernel(x, norm_weight, gate_weight, gate_bias, mlp1_weight, mlp1_bias,
           mlp2_weight, mlp2_bias):
    b, s, hid = x.shape
    x2 = x.reshape(s, hid)

    normed, logits = pl.pallas_call(
        _norm_gate_body,
        out_shape=[
            jax.ShapeDtypeStruct((S, HID), jnp.bfloat16),
            jax.ShapeDtypeStruct((S, NEXP), jnp.float32),
        ],
    )(x2, norm_weight.reshape(1, HID), gate_weight,
      gate_bias.reshape(1, NEXP))

    wmat = _routing_call()(logits)

    out2_call = pl.pallas_call(
        _expert_body,
        grid=(NEXP,),
        in_specs=[
            pl.BlockSpec((S, HID), lambda e: (0, 0)),
            pl.BlockSpec((S, NEXP), lambda e: (0, 0)),
            pl.BlockSpec((S, HID), lambda e: (0, 0)),
            pl.BlockSpec((1, INTER // 2, HID), lambda e: (e, 0, 0)),
            pl.BlockSpec((1, INTER // 2, HID), lambda e: (e, 1, 0)),
            pl.BlockSpec((1, INTER // 2, HID), lambda e: (e, 2, 0)),
            pl.BlockSpec((1, INTER // 2, HID), lambda e: (e, 3, 0)),
            pl.BlockSpec((1, INTER, 1), lambda e: (e, 0, 0)),
            pl.BlockSpec((1, INTER, 1), lambda e: (e, 0, 0)),
            pl.BlockSpec((1, HID // 2, INTER), lambda e: (2 * e, 0, 0)),
            pl.BlockSpec((1, HID // 2, INTER), lambda e: (2 * e + 1, 0, 0)),
            pl.BlockSpec((1, 1, HID), lambda e: (e, 0, 0)),
        ],
        out_specs=pl.BlockSpec((S, HID), lambda e: (0, 0)),
        out_shape=jax.ShapeDtypeStruct((S, HID), jnp.bfloat16),
        scratch_shapes=[pltpu.VMEM((S, HID), jnp.float32),
                        pltpu.VMEM((2 * INTER, S), jnp.float32)],
    )
    b1g = mlp1_bias[:, 0::2].reshape(NEXP, INTER, 1)
    b1l = mlp1_bias[:, 1::2].reshape(NEXP, INTER, 1)
    w2s = mlp2_weight.reshape(2 * NEXP, HID // 2, INTER)
    out2 = out2_call(normed, wmat, x2, mlp1_weight, mlp1_weight, mlp1_weight,
                     mlp1_weight, b1g, b1l, w2s, w2s,
                     mlp2_bias.reshape(NEXP, 1, HID))

    return out2.reshape(b, s, hid)

# --- scband reference (transcript-rebuilt; emitter-appended) ---
"""Pipeline reference for scband-mlpblock-16028817949441 (READ-ONLY COPY).

The authoritative reference and input builder live on the scoring server;
editing this copy changes nothing except your own understanding.
"""

import jax, jax.numpy as jnp
import numpy as np

B, S = 1, 128
HID = 768
INTER = 768
NEXP = 16
TOPK = 2
LIMIT = 7.0
EPS = 1e-05
ALPHA = 1.702


def setup_inputs(seed: int = 0) -> dict:
    key = jax.random.key(seed)
    ks = jax.random.split(key, 6)
    std1 = 1.0 / np.sqrt(float(HID))
    std2 = 1.0 / np.sqrt(float(INTER))
    return {
        "x": jax.random.normal(ks[0], (B, S, HID), dtype=jnp.float32),
        "norm_weight": jnp.ones((HID,), dtype=jnp.float32),
        "gate_weight": (jax.random.normal(ks[1], (NEXP, HID), dtype=jnp.float32) * std1).astype(jnp.bfloat16),
        "gate_bias": jnp.zeros((NEXP,), dtype=jnp.bfloat16),
        "mlp1_weight": (jax.random.normal(ks[2], (NEXP, 2 * INTER, HID), dtype=jnp.float32) * std1).astype(jnp.bfloat16),
        "mlp1_bias": jnp.zeros((NEXP, 2 * INTER), dtype=jnp.bfloat16),
        "mlp2_weight": (jax.random.normal(ks[3], (NEXP, HID, INTER), dtype=jnp.float32) * std2).astype(jnp.bfloat16),
        "mlp2_bias": jnp.zeros((NEXP, HID), dtype=jnp.bfloat16),
    }


def _swiglu(u, limit=LIMIT, alpha=ALPHA):
    dtype = u.dtype
    ur = u.reshape(u.shape[:-1] + (-1, 2))
    x_glu = ur[..., 0]
    x_lin = ur[..., 1]
    x_glu = jnp.minimum(x_glu, limit).astype(dtype)
    x_lin = jnp.minimum(jnp.maximum(x_lin, -limit), limit).astype(dtype)
    out_glu = x_glu * jax.nn.sigmoid(alpha * x_glu).astype(dtype)
    return (out_glu * (x_lin + jnp.asarray(1.0, dtype=dtype))).astype(dtype)


def reference(x, norm_weight, gate_weight, gate_bias, mlp1_weight, mlp1_bias, mlp2_weight, mlp2_bias):
    cd = jnp.bfloat16  # compute dtype (param_dtype == bfloat16)
    xc = x.astype(cd)
    # RMSNorm (float32 internals, cast back to compute dtype)
    xf = xc.astype(jnp.float32)
    rms = jnp.mean(jnp.square(xf), axis=-1, keepdims=True)
    normed = (xf * jax.lax.rsqrt(rms + jnp.float32(EPS)) * norm_weight.astype(jnp.float32)).astype(cd)
    # Gate: float32 accumulation, cast to bf16 (weight dtype), then to float32
    gl = jax.lax.dot_general(
        normed.astype(jnp.float32),
        gate_weight.astype(jnp.float32).T,
        dimension_numbers=(((2,), (0,)), ((), ())),
        precision=jax.lax.Precision.HIGHEST,
        preferred_element_type=jnp.float32,
    ) + gate_bias.astype(jnp.float32)
    gate_logits = gl.astype(cd).astype(jnp.float32)
    expert_scores, expert_indices = jax.lax.top_k(gate_logits, TOPK)
    expert_weights = jax.nn.softmax(expert_scores.astype(jnp.float32), axis=-1).astype(jnp.float32)
    # Per-token expert weight gather + expert MLP
    w1 = jnp.take(mlp1_weight, expert_indices, axis=0).astype(jnp.float32)
    b1 = jnp.take(mlp1_bias, expert_indices, axis=0).astype(jnp.float32)
    proj1 = jnp.einsum('bskoh,bsh->bsko', w1, normed.astype(jnp.float32), optimize='optimal') + b1
    act = _swiglu(proj1).astype(jnp.float32)
    w2 = jnp.take(mlp2_weight, expert_indices, axis=0).astype(jnp.float32)
    b2 = jnp.take(mlp2_bias, expert_indices, axis=0).astype(jnp.float32)
    proj2 = jnp.einsum('bskhi,bski->bskh', w2, act, optimize='optimal') + b2
    mixed = jnp.einsum('bsk,bskh->bsh', expert_weights, proj2, optimize='optimal')
    out = xc + mixed.astype(cd)
    return out


if False:  # reference __main__ guard neutralized (emitter)
    inp = setup_inputs()
    o = reference(**inp)
    print(o.shape, o.dtype)

if __name__ == "__main__":
    import jax
    _d = setup_inputs()
    print(jax.jit(kernel)(*tuple(_d.values())))

</pallas_src>

<mosaic_0001>
#map = affine_map<(d0, d1) -> (0, 0)>
module attributes {stable_mosaic.version = 14 : i64} {
  func.func @_routing_sc_body(%arg0: i32, %arg1: i32, %arg2: memref<128x16xf32, #tpu.memory_space<hbm>>, %arg3: memref<128x16xf32, #tpu.memory_space<hbm>>, %arg4: memref<4x16xf32, #tpu.memory_space<vmem>>, %arg5: memref<4x16xf32, #tpu.memory_space<vmem>>) attributes {dimension_semantics = [#tpu.dimension_semantics<core_parallel>, #tpu.dimension_semantics<subcore_parallel>], iteration_bounds = array<i64: 2, 16>, scalar_prefetch = 0 : i64, scratch_operands = 2 : i64, tpu.core_type = #tpu.core_type<sc_vector_subcore>, window_params = [{transform_indices = #map}, {transform_indices = #map}]} {
    %mul3A = arith.constant 2 : i32
    %mul3A_0 = arith.muli %arg1, %mul3A : i32
    %add3A = arith.addi %mul3A_0, %arg0 : i32
    %mul3A_1 = arith.constant 4 : i32
    %mul3A_2 = arith.muli %add3A, %mul3A_1 : i32
    "tpu.region"() ({
      %run_scoped3A = tpu.sem_alloc : memref<!tpu.dma_semaphore, #tpu.memory_space<semaphore_mem>>
      %dma_start3A = arith.constant 0 : i32
      %dma_start3A_1037 = tpu.memref_slice %arg2[%mul3A_2, %dma_start3A] : memref<128x16xf32, #tpu.memory_space<hbm>> -> memref<4x16xf32, #tpu.memory_space<hbm>>
      %dma_start3A_1038 = arith.constant 0 : i32
      %dma_start3A_1039 = tpu.memref_slice %arg2[%mul3A_2, %dma_start3A_1038] : memref<128x16xf32, #tpu.memory_space<hbm>> -> memref<4x16xf32, #tpu.memory_space<hbm>>
      tpu.enqueue_dma source(%dma_start3A_1039 : memref<4x16xf32, #tpu.memory_space<hbm>>) target(%arg4 : memref<4x16xf32, #tpu.memory_space<vmem>>) target_semaphore(%run_scoped3A : memref<!tpu.dma_semaphore, #tpu.memory_space<semaphore_mem>>)
      %dma_wait3A = arith.constant 0 : i32
      %dma_wait3A_1040 = tpu.memref_slice %arg2[%mul3A_2, %dma_wait3A] : memref<128x16xf32, #tpu.memory_space<hbm>> -> memref<4x16xf32, #tpu.memory_space<hbm>>
      %dma_wait3A_1041 = arith.constant 0 : i32
      %dma_wait3A_1042 = tpu.memref_slice %arg2[%mul3A_2, %dma_wait3A_1041] : memref<128x16xf32, #tpu.memory_space<hbm>> -> memref<4x16xf32, #tpu.memory_space<hbm>>
      tpu.wait_dma2 semaphore(%run_scoped3A : memref<!tpu.dma_semaphore, #tpu.memory_space<semaphore_mem>>) src(%dma_wait3A_1042 : memref<4x16xf32, #tpu.memory_space<hbm>>) dst(%arg4 : memref<4x16xf32, #tpu.memory_space<vmem>>)
      tpu.yield
    }) : () -> ()
    %iota3A = tpu.iota {dimensions = array<i32: 0>} : vector<16xi32>
    %get3A = arith.constant 0 : i32
    %get3A_3 = arith.index_cast %get3A : i32 to index
    %get3A_4 = arith.constant 0 : index
    %get3A_5 = tpu.vector_load %arg4[%get3A_3, %get3A_4] {strides = array<i32>} : memref<4x16xf32, #tpu.memory_space<vmem>>, vector<1x16xf32>,
    %get3A_6 = vector.shape_cast %get3A_5 : vector<1x16xf32> to vector<16xf32>
    %xor3A = arith.constant 1 : i32
    %xor3A_7 = vector.broadcast %xor3A : i32 to vector<16xi32>
    %xor3A_8 = arith.xori %iota3A, %xor3A_7 : vector<16xi32>
    %lt3A = arith.constant 0 : i32
    %lt3A_9 = vector.broadcast %lt3A : i32 to vector<16xi32>
    %lt3A_10 = arith.cmpi slt, %xor3A_8, %lt3A_9 : vector<16xi32>
    %add3A_11 = arith.constant 16 : i32
    %add3A_12 = vector.broadcast %add3A_11 : i32 to vector<16xi32>
    %add3A_13 = arith.addi %xor3A_8, %add3A_12 : vector<16xi32>
    %select_n3A = arith.select %lt3A_10, %add3A_13, %xor3A_8 : vector<16xi1>, vector<16xi32>
    %broadcast_in_dim3A = vector.shape_cast %select_n3A : vector<16xi32> to vector<16x1xi32>
    %gather3A = vector.shape_cast %broadcast_in_dim3A : vector<16x1xi32> to vector<16xi32>
    %gather3A_14 = tpu.dynamic_gather %get3A_6[%gather3A] in [0] : vector<16xf32>, vector<16xi32> -> vector<16xf32>
    %max3A = arith.maximumf %get3A_6, %gather3A_14 : vector<16xf32>
    %xor3A_15 = arith.constant 2 : i32
    %xor3A_16 = vector.broadcast %xor3A_15 : i32 to vector<16xi32>
    %xor3A_17 = arith.xori %iota3A, %xor3A_16 : vector<16xi32>
    %lt3A_18 = arith.constant 0 : i32
    %lt3A_19 = vector.broadcast %lt3A_18 : i32 to vector<16xi32>
    %lt3A_20 = arith.cmpi slt, %xor3A_17, %lt3A_19 : vector<16xi32>
    %add3A_21 = arith.constant 16 : i32
    %add3A_22 = vector.broadcast %add3A_21 : i32 to vector<16xi32>
    %add3A_23 = arith.addi %xor3A_17, %add3A_22 : vector<16xi32>
    %select_n3A_24 = arith.select %lt3A_20, %add3A_23, %xor3A_17 : vector<16xi1>, vector<16xi32>
    %broadcast_in_dim3A_25 = vector.shape_cast %select_n3A_24 : vector<16xi32> to vector<16x1xi32>
    %gather3A_26 = vector.shape_cast %broadcast_in_dim3A_25 : vector<16x1xi32> to vector<16xi32>
    %gather3A_27 = tpu.dynamic_gather %max3A[%gather3A_26] in [0] : vector<16xf32>, vector<16xi32> -> vector<16xf32>
    %max3A_28 = arith.maximumf %max3A, %gather3A_27 : vector<16xf32>
    %xor3A_29 = arith.constant 4 : i32
    %xor3A_30 = vector.broadcast %xor3A_29 : i32 to vector<16xi32>
    %xor3A_31 = arith.xori %iota3A, %xor3A_30 : vector<16xi32>
    %lt3A_32 = arith.constant 0 : i32
    %lt3A_33 = vector.broadcast %lt3A_32 : i32 to vector<16xi32>
    %lt3A_34 = arith.cmpi slt, %xor3A_31, %lt3A_33 : vector<16xi32>
    %add3A_35 = arith.constant 16 : i32
    %add3A_36 = vector.broadcast %add3A_35 : i32 to vector<16xi32>
    %add3A_37 = arith.addi %xor3A_31, %add3A_36 : vector<16xi32>
    %select_n3A_38 = arith.select %lt3A_34, %add3A_37, %xor3A_31 : vector<16xi1>, vector<16xi32>
    %broadcast_in_dim3A_39 = vector.shape_cast %select_n3A_38 : vector<16xi32> to vector<16x1xi32>
    %gather3A_40 = vector.shape_cast %broadcast_in_dim3A_39 : vector<16x1xi32> to vector<16xi32>
    %gather3A_41 = tpu.dynamic_gather %max3A_28[%gather3A_40] in [0] : vector<16xf32>, vector<16xi32> -> vector<16xf32>
    %max3A_42 = arith.maximumf %max3A_28, %gather3A_41 : vector<16xf32>
    %xor3A_43 = arith.constant 8 : i32
    %xor3A_44 = vector.broadcast %xor3A_43 : i32 to vector<16xi32>
    %xor3A_45 = arith.xori %iota3A, %xor3A_44 : vector<16xi32>
    %lt3A_46 = arith.constant 0 : i32
    %lt3A_47 = vector.broadcast %lt3A_46 : i32 to vector<16xi32>
    %lt3A_48 = arith.cmpi slt, %xor3A_45, %lt3A_47 : vector<16xi32>
    %add3A_49 = arith.constant 16 : i32
    %add3A_50 = vector.broadcast %add3A_49 : i32 to vector<16xi32>
    %add3A_51 = arith.addi %xor3A_45, %add3A_50 : vector<16xi32>
    %select_n3A_52 = arith.select %lt3A_48, %add3A_51, %xor3A_45 : vector<16xi1>, vector<16xi32>
    %broadcast_in_dim3A_53 = vector.shape_cast %select_n3A_52 : vector<16xi32> to vector<16x1xi32>
    %gather3A_54 = vector.shape_cast %broadcast_in_dim3A_53 : vector<16x1xi32> to vector<16xi32>
    %gather3A_55 = tpu.dynamic_gather %max3A_42[%gather3A_54] in [0] : vector<16xf32>, vector<16xi32> -> vector<16xf32>
    %max3A_56 = arith.maximumf %max3A_42, %gather3A_55 : vector<16xf32>
    %eq3A = arith.cmpf oeq, %get3A_6, %max3A_56 : vector<16xf32>
    %broadcast_in_dim3A_57 = arith.constant 16 : i32
    %broadcast_in_dim3A_58 = vector.broadcast %broadcast_in_dim3A_57 : i32 to vector<16xi32>
    %select_n3A_59 = arith.select %eq3A, %iota3A, %broadcast_in_dim3A_58 : vector<16xi1>, vector<16xi32>
    %xor3A_60 = arith.constant 1 : i32
    %xor3A_61 = vector.broadcast %xor3A_60 : i32 to vector<16xi32>
    %xor3A_62 = arith.xori %iota3A, %xor3A_61 : vector<16xi32>
    %lt3A_63 = arith.constant 0 : i32
    %lt3A_64 = vector.broadcast %lt3A_63 : i32 to vector<16xi32>
    %lt3A_65 = arith.cmpi slt, %xor3A_62, %lt3A_64 : vector<16xi32>
    %add3A_66 = arith.constant 16 : i32
    %add3A_67 = vector.broadcast %add3A_66 : i32 to vector<16xi32>
    %add3A_68 = arith.addi %xor3A_62, %add3A_67 : vector<16xi32>
    %select_n3A_69 = arith.select %lt3A_65, %add3A_68, %xor3A_62 : vector<16xi1>, vector<16xi32>
    %broadcast_in_dim3A_70 = vector.shape_cast %select_n3A_69 : vector<16xi32> to vector<16x1xi32>
    %gather3A_71 = vector.shape_cast %broadcast_in_dim3A_70 : vector<16x1xi32> to vector<16xi32>
    %gather3A_72 = tpu.dynamic_gather %select_n3A_59[%gather3A_71] in [0] : vector<16xi32>, vector<16xi32> -> vector<16xi32>
    %min3A = arith.minsi %select_n3A_59, %gather3A_72 : vector<16xi32>
    %xor3A_73 = arith.constant 2 : i32
    %xor3A_74 = vector.broadcast %xor3A_73 : i32 to vector<16xi32>
    %xor3A_75 = arith.xori %iota3A, %xor3A_74 : vector<16xi32>
    %lt3A_76 = arith.constant 0 : i32
    %lt3A_77 = vector.broadcast %lt3A_76 : i32 to vector<16xi32>
    %lt3A_78 = arith.cmpi slt, %xor3A_75, %lt3A_77 : vector<16xi32>
    %add3A_79 = arith.constant 16 : i32
    %add3A_80 = vector.broadcast %add3A_79 : i32 to vector<16xi32>
    %add3A_81 = arith.addi %xor3A_75, %add3A_80 : vector<16xi32>
    %select_n3A_82 = arith.select %lt3A_78, %add3A_81, %xor3A_75 : vector<16xi1>, vector<16xi32>
    %broadcast_in_dim3A_83 = vector.shape_cast %select_n3A_82 : vector<16xi32> to vector<16x1xi32>
    %gather3A_84 = vector.shape_cast %broadcast_in_dim3A_83 : vector<16x1xi32> to vector<16xi32>
    %gather3A_85 = tpu.dynamic_gather %min3A[%gather3A_84] in [0] : vector<16xi32>, vector<16xi32> -> vector<16xi32>
    %min3A_86 = arith.minsi %min3A, %gather3A_85 : vector<16xi32>
    %xor3A_87 = arith.constant 4 : i32
    %xor3A_88 = vector.broadcast %xor3A_87 : i32 to vector<16xi32>
    %xor3A_89 = arith.xori %iota3A, %xor3A_88 : vector<16xi32>
    %lt3A_90 = arith.constant 0 : i32
    %lt3A_91 = vector.broadcast %lt3A_90 : i32 to vector<16xi32>
    %lt3A_92 = arith.cmpi slt, %xor3A_89, %lt3A_91 : vector<16xi32>
    %add3A_93 = arith.constant 16 : i32
    %add3A_94 = vector.broadcast %add3A_93 : i32 to vector<16xi32>
    %add3A_95 = arith.addi %xor3A_89, %add3A_94 : vector<16xi32>
    %select_n3A_96 = arith.select %lt3A_92, %add3A_95, %xor3A_89 : vector<16xi1>, vector<16xi32>
    %broadcast_in_dim3A_97 = vector.shape_cast %select_n3A_96 : vector<16xi32> to vector<16x1xi32>
    %gather3A_98 = vector.shape_cast %broadcast_in_dim3A_97 : vector<16x1xi32> to vector<16xi32>
    %gather3A_99 = tpu.dynamic_gather %min3A_86[%gather3A_98] in [0] : vector<16xi32>, vector<16xi32> -> vector<16xi32>
    %min3A_100 = arith.minsi %min3A_86, %gather3A_99 : vector<16xi32>
    %xor3A_101 = arith.constant 8 : i32
    %xor3A_102 = vector.broadcast %xor3A_101 : i32 to vector<16xi32>
    %xor3A_103 = arith.xori %iota3A, %xor3A_102 : vector<16xi32>
    %lt3A_104 = arith.constant 0 : i32
    %lt3A_105 = vector.broadcast %lt3A_104 : i32 to vector<16xi32>
    %lt3A_106 = arith.cmpi slt, %xor3A_103, %lt3A_105 : vector<16xi32>
    %add3A_107 = arith.constant 16 : i32
    %add3A_108 = vector.broadcast %add3A_107 : i32 to vector<16xi32>
    %add3A_109 = arith.addi %xor3A_103, %add3A_108 : vector<16xi32>
    %select_n3A_110 = arith.select %lt3A_106, %add3A_109, %xor3A_103 : vector<16xi1>, vector<16xi32>
    %broadcast_in_dim3A_111 = vector.shape_cast %select_n3A_110 : vector<16xi32> to vector<16x1xi32>
    %gather3A_112 = vector.shape_cast %broadcast_in_dim3A_111 : vector<16x1xi32> to vector<16xi32>
    %gather3A_113 = tpu.dynamic_gather %min3A_100[%gather3A_112] in [0] : vector<16xi32>, vector<16xi32> -> vector<16xi32>
    %min3A_114 = arith.minsi %min3A_100, %gather3A_113 : vector<16xi32>
    %eq3A_115 = arith.cmpi eq, %iota3A, %min3A_114 : vector<16xi32>
    %jit3A = arith.constant -1.000000e+30 : f32
    %broadcast_in_dim3A_116 = vector.broadcast %jit3A : f32 to vector<16xf32>
    %select_n3A_117 = arith.select %eq3A_115, %broadcast_in_dim3A_116, %get3A_6 : vector<16xi1>, vector<16xf32>
    %xor3A_118 = arith.constant 1 : i32
    %xor3A_119 = vector.broadcast %xor3A_118 : i32 to vector<16xi32>
    %xor3A_120 = arith.xori %iota3A, %xor3A_119 : vector<16xi32>
    %lt3A_121 = arith.constant 0 : i32
    %lt3A_122 = vector.broadcast %lt3A_121 : i32 to vector<16xi32>
    %lt3A_123 = arith.cmpi slt, %xor3A_120, %lt3A_122 : vector<16xi32>
    %add3A_124 = arith.constant 16 : i32
    %add3A_125 = vector.broadcast %add3A_124 : i32 to vector<16xi32>
    %add3A_126 = arith.addi %xor3A_120, %add3A_125 : vector<16xi32>
    %select_n3A_127 = arith.select %lt3A_123, %add3A_126, %xor3A_120 : vector<16xi1>, vector<16xi32>
    %broadcast_in_dim3A_128 = vector.shape_cast %select_n3A_127 : vector<16xi32> to vector<16x1xi32>
    %gather3A_129 = vector.shape_cast %broadcast_in_dim3A_128 : vector<16x1xi32> to vector<16xi32>
    %gather3A_130 = tpu.dynamic_gather %select_n3A_117[%gather3A_129] in [0] : vector<16xf32>, vector<16xi32> -> vector<16xf32>
    %max3A_131 = arith.maximumf %select_n3A_117, %gather3A_130 : vector<16xf32>
    %xor3A_132 = arith.constant 2 : i32
    %xor3A_133 = vector.broadcast %xor3A_132 : i32 to vector<16xi32>
    %xor3A_134 = arith.xori %iota3A, %xor3A_133 : vector<16xi32>
    %lt3A_135 = arith.constant 0 : i32
    %lt3A_136 = vector.broadcast %lt3A_135 : i32 to vector<16xi32>
    %lt3A_137 = arith.cmpi slt, %xor3A_134, %lt3A_136 : vector<16xi32>
    %add3A_138 = arith.constant 16 : i32
    %add3A_139 = vector.broadcast %add3A_138 : i32 to vector<16xi32>
    %add3A_140 = arith.addi %xor3A_134, %add3A_139 : vector<16xi32>
    %select_n3A_141 = arith.select %lt3A_137, %add3A_140, %xor3A_134 : vector<16xi1>, vector<16xi32>
    %broadcast_in_dim3A_142 = vector.shape_cast %select_n3A_141 : vector<16xi32> to vector<16x1xi32>
    %gather3A_143 = vector.shape_cast %broadcast_in_dim3A_142 : vector<16x1xi32> to vector<16xi32>
    %gather3A_144 = tpu.dynamic_gather %max3A_131[%gather3A_143] in [0] : vector<16xf32>, vector<16xi32> -> vector<16xf32>
    %max3A_145 = arith.maximumf %max3A_131, %gather3A_144 : vector<16xf32>
    %xor3A_146 = arith.constant 4 : i32
    %xor3A_147 = vector.broadcast %xor3A_146 : i32 to vector<16xi32>
    %xor3A_148 = arith.xori %iota3A, %xor3A_147 : vector<16xi32>
    %lt3A_149 = arith.constant 0 : i32
    %lt3A_150 = vector.broadcast %lt3A_149 : i32 to vector<16xi32>
    %lt3A_151 = arith.cmpi slt, %xor3A_148, %lt3A_150 : vector<16xi32>
    %add3A_152 = arith.constant 16 : i32
    %add3A_153 = vector.broadcast %add3A_152 : i32 to vector<16xi32>
    %add3A_154 = arith.addi %xor3A_148, %add3A_153 : vector<16xi32>
    %select_n3A_155 = arith.select %lt3A_151, %add3A_154, %xor3A_148 : vector<16xi1>, vector<16xi32>
    %broadcast_in_dim3A_156 = vector.shape_cast %select_n3A_155 : vector<16xi32> to vector<16x1xi32>
    %gather3A_157 = vector.shape_cast %broadcast_in_dim3A_156 : vector<16x1xi32> to vector<16xi32>
    %gather3A_158 = tpu.dynamic_gather %max3A_145[%gather3A_157] in [0] : vector<16xf32>, vector<16xi32> -> vector<16xf32>
    %max3A_159 = arith.maximumf %max3A_145, %gather3A_158 : vector<16xf32>
    %xor3A_160 = arith.constant 8 : i32
    %xor3A_161 = vector.broadcast %xor3A_160 : i32 to vector<16xi32>
    %xor3A_162 = arith.xori %iota3A, %xor3A_161 : vector<16xi32>
    %lt3A_163 = arith.constant 0 : i32
    %lt3A_164 = vector.broadcast %lt3A_163 : i32 to vector<16xi32>
    %lt3A_165 = arith.cmpi slt, %xor3A_162, %lt3A_164 : vector<16xi32>
    %add3A_166 = arith.constant 16 : i32
    %add3A_167 = vector.broadcast %add3A_166 : i32 to vector<16xi32>
    %add3A_168 = arith.addi %xor3A_162, %add3A_167 : vector<16xi32>
    %select_n3A_169 = arith.select %lt3A_165, %add3A_168, %xor3A_162 : vector<16xi1>, vector<16xi32>
    %broadcast_in_dim3A_170 = vector.shape_cast %select_n3A_169 : vector<16xi32> to vector<16x1xi32>
    %gather3A_171 = vector.shape_cast %broadcast_in_dim3A_170 : vector<16x1xi32> to vector<16xi32>
    %gather3A_172 = tpu.dynamic_gather %max3A_159[%gather3A_171] in [0] : vector<16xf32>, vector<16xi32> -> vector<16xf32>
    %max3A_173 = arith.maximumf %max3A_159, %gather3A_172 : vector<16xf32>
    %eq3A_174 = arith.cmpf oeq, %select_n3A_117, %max3A_173 : vector<16xf32>
    %broadcast_in_dim3A_175 = arith.constant 16 : i32
    %broadcast_in_dim3A_176 = vector.broadcast %broadcast_in_dim3A_175 : i32 to vector<16xi32>
    %select_n3A_177 = arith.select %eq3A_174, %iota3A, %broadcast_in_dim3A_176 : vector<16xi1>, vector<16xi32>
    %xor3A_178 = arith.constant 1 : i32
    %xor3A_179 = vector.broadcast %xor3A_178 : i32 to vector<16xi32>
    %xor3A_180 = arith.xori %iota3A, %xor3A_179 : vector<16xi32>
    %lt3A_181 = arith.constant 0 : i32
    %lt3A_182 = vector.broadcast %lt3A_181 : i32 to vector<16xi32>
    %lt3A_183 = arith.cmpi slt, %xor3A_180, %lt3A_182 : vector<16xi32>
    %add3A_184 = arith.constant 16 : i32
    %add3A_185 = vector.broadcast %add3A_184 : i32 to vector<16xi32>
    %add3A_186 = arith.addi %xor3A_180, %add3A_185 : vector<16xi32>
    %select_n3A_187 = arith.select %lt3A_183, %add3A_186, %xor3A_180 : vector<16xi1>, vector<16xi32>
    %broadcast_in_dim3A_188 = vector.shape_cast %select_n3A_187 : vector<16xi32> to vector<16x1xi32>
    %gather3A_189 = vector.shape_cast %broadcast_in_dim3A_188 : vector<16x1xi32> to vector<16xi32>
    %gather3A_190 = tpu.dynamic_gather %select_n3A_177[%gather3A_189] in [0] : vector<16xi32>, vector<16xi32> -> vector<16xi32>
    %min3A_191 = arith.minsi %select_n3A_177, %gather3A_190 : vector<16xi32>
    %xor3A_192 = arith.constant 2 : i32
    %xor3A_193 = vector.broadcast %xor3A_192 : i32 to vector<16xi32>
    %xor3A_194 = arith.xori %iota3A, %xor3A_193 : vector<16xi32>
    %lt3A_195 = arith.constant 0 : i32
    %lt3A_196 = vector.broadcast %lt3A_195 : i32 to vector<16xi32>
    %lt3A_197 = arith.cmpi slt, %xor3A_194, %lt3A_196 : vector<16xi32>
    %add3A_198 = arith.constant 16 : i32
    %add3A_199 = vector.broadcast %add3A_198 : i32 to vector<16xi32>
    %add3A_200 = arith.addi %xor3A_194, %add3A_199 : vector<16xi32>
    %select_n3A_201 = arith.select %lt3A_197, %add3A_200, %xor3A_194 : vector<16xi1>, vector<16xi32>
    %broadcast_in_dim3A_202 = vector.shape_cast %select_n3A_201 : vector<16xi32> to vector<16x1xi32>
    %gather3A_203 = vector.shape_cast %broadcast_in_dim3A_202 : vector<16x1xi32> to vector<16xi32>
    %gather3A_204 = tpu.dynamic_gather %min3A_191[%gather3A_203] in [0] : vector<16xi32>, vector<16xi32> -> vector<16xi32>
    %min3A_205 = arith.minsi %min3A_191, %gather3A_204 : vector<16xi32>
    %xor3A_206 = arith.constant 4 : i32
    %xor3A_207 = vector.broadcast %xor3A_206 : i32 to vector<16xi32>
    %xor3A_208 = arith.xori %iota3A, %xor3A_207 : vector<16xi32>
    %lt3A_209 = arith.constant 0 : i32
    %lt3A_210 = vector.broadcast %lt3A_209 : i32 to vector<16xi32>
    %lt3A_211 = arith.cmpi slt, %xor3A_208, %lt3A_210 : vector<16xi32>
    %add3A_212 = arith.constant 16 : i32
    %add3A_213 = vector.broadcast %add3A_212 : i32 to vector<16xi32>
    %add3A_214 = arith.addi %xor3A_208, %add3A_213 : vector<16xi32>
    %select_n3A_215 = arith.select %lt3A_211, %add3A_214, %xor3A_208 : vector<16xi1>, vector<16xi32>
    %broadcast_in_dim3A_216 = vector.shape_cast %select_n3A_215 : vector<16xi32> to vector<16x1xi32>
    %gather3A_217 = vector.shape_cast %broadcast_in_dim3A_216 : vector<16x1xi32> to vector<16xi32>
    %gather3A_218 = tpu.dynamic_gather %min3A_205[%gather3A_217] in [0] : vector<16xi32>, vector<16xi32> -> vector<16xi32>
    %min3A_219 = arith.minsi %min3A_205, %gather3A_218 : vector<16xi32>
    %xor3A_220 = arith.constant 8 : i32
    %xor3A_221 = vector.broadcast %xor3A_220 : i32 to vector<16xi32>
    %xor3A_222 = arith.xori %iota3A, %xor3A_221 : vector<16xi32>
    %lt3A_223 = arith.constant 0 : i32
    %lt3A_224 = vector.broadcast %lt3A_223 : i32 to vector<16xi32>
    %lt3A_225 = arith.cmpi slt, %xor3A_222, %lt3A_224 : vector<16xi32>
    %add3A_226 = arith.constant 16 : i32
    %add3A_227 = vector.broadcast %add3A_226 : i32 to vector<16xi32>
    %add3A_228 = arith.addi %xor3A_222, %add3A_227 : vector<16xi32>
    %select_n3A_229 = arith.select %lt3A_225, %add3A_228, %xor3A_222 : vector<16xi1>, vector<16xi32>
    %broadcast_in_dim3A_230 = vector.shape_cast %select_n3A_229 : vector<16xi32> to vector<16x1xi32>
    %gather3A_231 = vector.shape_cast %broadcast_in_dim3A_230 : vector<16x1xi32> to vector<16xi32>
    %gather3A_232 = tpu.dynamic_gather %min3A_219[%gather3A_231] in [0] : vector<16xi32>, vector<16xi32> -> vector<16xi32>
    %min3A_233 = arith.minsi %min3A_219, %gather3A_232 : vector<16xi32>
    %eq3A_234 = arith.cmpi eq, %iota3A, %min3A_233 : vector<16xi32>
    %sub3A = arith.subf %max3A_173, %max3A_56 : vector<16xf32>
    %exp3A = math.exp %sub3A : vector<16xf32>
    %add3A_235 = arith.constant 1.000000e+00 : f32
    %add3A_236 = vector.broadcast %add3A_235 : f32 to vector<16xf32>
    %add3A_237 = arith.addf %add3A_236, %exp3A : vector<16xf32>
    %div3A = arith.constant 1.000000e+00 : f32
    %div3A_238 = vector.broadcast %div3A : f32 to vector<16xf32>
    %div3A_239 = arith.divf %div3A_238, %add3A_237 : vector<16xf32>
    %div3A_240 = arith.divf %exp3A, %add3A_237 : vector<16xf32>
    %broadcast_in_dim3A_241 = arith.constant 0.000000e+00 : f32
    %broadcast_in_dim3A_242 = vector.broadcast %broadcast_in_dim3A_241 : f32 to vector<16xf32>
    %select_n3A_243 = arith.select %eq3A_115, %div3A_239, %broadcast_in_dim3A_242 : vector<16xi1>, vector<16xf32>
    %select_n3A_244 = arith.select %eq3A_234, %div3A_240, %broadcast_in_dim3A_242 : vector<16xi1>, vector<16xf32>
    %add3A_245 = arith.addf %select_n3A_243, %select_n3A_244 : vector<16xf32>
    %swap3A = arith.constant 0 : i32
    %swap3A_246 = arith.index_cast %swap3A : i32 to index
    %swap3A_247 = arith.constant 0 : index
    %swap3A_248 = tpu.vector_load %arg5[%swap3A_246, %swap3A_247] {strides = array<i32>} : memref<4x16xf32, #tpu.memory_space<vmem>>, vector<1x16xf32>,
    %swap3A_249 = vector.shape_cast %swap3A_248 : vector<1x16xf32> to vector<16xf32>
    %swap3A_250 = vector.shape_cast %add3A_245 : vector<16xf32> to vector<1x16xf32>
    tpu.vector_store %arg5[%swap3A_246, %swap3A_247], %swap3A_250 {strides = array<i32>} : memref<4x16xf32, #tpu.memory_space<vmem>>, vector<1x16xf32>,
    %get3A_251 = arith.constant 1 : i32
    %get3A_252 = arith.index_cast %get3A_251 : i32 to index
    %get3A_253 = arith.constant 0 : index
    %get3A_254 = tpu.vector_load %arg4[%get3A_252, %get3A_253] {strides = array<i32>} : memref<4x16xf32, #tpu.memory_space<vmem>>, vector<1x16xf32>,
    %get3A_255 = vector.shape_cast %get3A_254 : vector<1x16xf32> to vector<16xf32>
    %xor3A_256 = arith.constant 1 : i32
    %xor3A_257 = vector.broadcast %xor3A_256 : i32 to vector<16xi32>
    %xor3A_258 = arith.xori %iota3A, %xor3A_257 : vector<16xi32>
    %lt3A_259 = arith.constant 0 : i32
    %lt3A_260 = vector.broadcast %lt3A_259 : i32 to vector<16xi32>
    %lt3A_261 = arith.cmpi slt, %xor3A_258, %lt3A_260 : vector<16xi32>
    %add3A_262 = arith.constant 16 : i32
    %add3A_263 = vector.broadcast %add3A_262 : i32 to vector<16xi32>
    %add3A_264 = arith.addi %xor3A_258, %add3A_263 : vector<16xi32>
    %select_n3A_265 = arith.select %lt3A_261, %add3A_264, %xor3A_258 : vector<16xi1>, vector<16xi32>
    %broadcast_in_dim3A_266 = vector.shape_cast %select_n3A_265 : vector<16xi32> to vector<16x1xi32>
    %gather3A_267 = vector.shape_cast %broadcast_in_dim3A_266 : vector<16x1xi32> to vector<16xi32>
    %gather3A_268 = tpu.dynamic_gather %get3A_255[%gather3A_267] in [0] : vector<16xf32>, vector<16xi32> -> vector<16xf32>
    %max3A_269 = arith.maximumf %get3A_255, %gather3A_268 : vector<16xf32>
    %xor3A_270 = arith.constant 2 : i32
    %xor3A_271 = vector.broadcast %xor3A_270 : i32 to vector<16xi32>
    %xor3A_272 = arith.xori %iota3A, %xor3A_271 : vector<16xi32>
    %lt3A_273 = arith.constant 0 : i32
    %lt3A_274 = vector.broadcast %lt3A_273 : i32 to vector<16xi32>
    %lt3A_275 = arith.cmpi slt, %xor3A_272, %lt3A_274 : vector<16xi32>
    %add3A_276 = arith.constant 16 : i32
    %add3A_277 = vector.broadcast %add3A_276 : i32 to vector<16xi32>
    %add3A_278 = arith.addi %xor3A_272, %add3A_277 : vector<16xi32>
    %select_n3A_279 = arith.select %lt3A_275, %add3A_278, %xor3A_272 : vector<16xi1>, vector<16xi32>
    %broadcast_in_dim3A_280 = vector.shape_cast %select_n3A_279 : vector<16xi32> to vector<16x1xi32>
    %gather3A_281 = vector.shape_cast %broadcast_in_dim3A_280 : vector<16x1xi32> to vector<16xi32>
    %gather3A_282 = tpu.dynamic_gather %max3A_269[%gather3A_281] in [0] : vector<16xf32>, vector<16xi32> -> vector<16xf32>
    %max3A_283 = arith.maximumf %max3A_269, %gather3A_282 : vector<16xf32>
    %xor3A_284 = arith.constant 4 : i32
    %xor3A_285 = vector.broadcast %xor3A_284 : i32 to vector<16xi32>
    %xor3A_286 = arith.xori %iota3A, %xor3A_285 : vector<16xi32>
    %lt3A_287 = arith.constant 0 : i32
    %lt3A_288 = vector.broadcast %lt3A_287 : i32 to vector<16xi32>
    %lt3A_289 = arith.cmpi slt, %xor3A_286, %lt3A_288 : vector<16xi32>
    %add3A_290 = arith.constant 16 : i32
    %add3A_291 = vector.broadcast %add3A_290 : i32 to vector<16xi32>
    %add3A_292 = arith.addi %xor3A_286, %add3A_291 : vector<16xi32>
    %select_n3A_293 = arith.select %lt3A_289, %add3A_292, %xor3A_286 : vector<16xi1>, vector<16xi32>
    %broadcast_in_dim3A_294 = vector.shape_cast %select_n3A_293 : vector<16xi32> to vector<16x1xi32>
    %gather3A_295 = vector.shape_cast %broadcast_in_dim3A_294 : vector<16x1xi32> to vector<16xi32>
    %gather3A_296 = tpu.dynamic_gather %max3A_283[%gather3A_295] in [0] : vector<16xf32>, vector<16xi32> -> vector<16xf32>
    %max3A_297 = arith.maximumf %max3A_283, %gather3A_296 : vector<16xf32>
    %xor3A_298 = arith.constant 8 : i32
    %xor3A_299 = vector.broadcast %xor3A_298 : i32 to vector<16xi32>
    %xor3A_300 = arith.xori %iota3A, %xor3A_299 : vector<16xi32>
    %lt3A_301 = arith.constant 0 : i32
    %lt3A_302 = vector.broadcast %lt3A_301 : i32 to vector<16xi32>
    %lt3A_303 = arith.cmpi slt, %xor3A_300, %lt3A_302 : vector<16xi32>
    %add3A_304 = arith.constant 16 : i32
    %add3A_305 = vector.broadcast %add3A_304 : i32 to vector<16xi32>
    %add3A_306 = arith.addi %xor3A_300, %add3A_305 : vector<16xi32>
    %select_n3A_307 = arith.select %lt3A_303, %add3A_306, %xor3A_300 : vector<16xi1>, vector<16xi32>
    %broadcast_in_dim3A_308 = vector.shape_cast %select_n3A_307 : vector<16xi32> to vector<16x1xi32>
    %gather3A_309 = vector.shape_cast %broadcast_in_dim3A_308 : vector<16x1xi32> to vector<16xi32>
    %gather3A_310 = tpu.dynamic_gather %max3A_297[%gather3A_309] in [0] : vector<16xf32>, vector<16xi32> -> vector<16xf32>
    %max3A_311 = arith.maximumf %max3A_297, %gather3A_310 : vector<16xf32>
    %eq3A_312 = arith.cmpf oeq, %get3A_255, %max3A_311 : vector<16xf32>
    %broadcast_in_dim3A_313 = arith.constant 16 : i32
    %broadcast_in_dim3A_314 = vector.broadcast %broadcast_in_dim3A_313 : i32 to vector<16xi32>
    %select_n3A_315 = arith.select %eq3A_312, %iota3A, %broadcast_in_dim3A_314 : vector<16xi1>, vector<16xi32>
    %xor3A_316 = arith.constant 1 : i32
    %xor3A_317 = vector.broadcast %xor3A_316 : i32 to vector<16xi32>
    %xor3A_318 = arith.xori %iota3A, %xor3A_317 : vector<16xi32>
    %lt3A_319 = arith.constant 0 : i32
    %lt3A_320 = vector.broadcast %lt3A_319 : i32 to vector<16xi32>
    %lt3A_321 = arith.cmpi slt, %xor3A_318, %lt3A_320 : vector<16xi32>
    %add3A_322 = arith.constant 16 : i32
    %add3A_323 = vector.broadcast %add3A_322 : i32 to vector<16xi32>
    %add3A_324 = arith.addi %xor3A_318, %add3A_323 : vector<16xi32>
    %select_n3A_325 = arith.select %lt3A_321, %add3A_324, %xor3A_318 : vector<16xi1>, vector<16xi32>
    %broadcast_in_dim3A_326 = vector.shape_cast %select_n3A_325 : vector<16xi32> to vector<16x1xi32>
    %gather3A_327 = vector.shape_cast %broadcast_in_dim3A_326 : vector<16x1xi32> to vector<16xi32>
    %gather3A_328 = tpu.dynamic_gather %select_n3A_315[%gather3A_327] in [0] : vector<16xi32>, vector<16xi32> -> vector<16xi32>
    %min3A_329 = arith.minsi %select_n3A_315, %gather3A_328 : vector<16xi32>
    %xor3A_330 = arith.constant 2 : i32
    %xor3A_331 = vector.broadcast %xor3A_330 : i32 to vector<16xi32>
    %xor3A_332 = arith.xori %iota3A, %xor3A_331 : vector<16xi32>
    %lt3A_333 = arith.constant 0 : i32
    %lt3A_334 = vector.broadcast %lt3A_333 : i32 to vector<16xi32>
    %lt3A_335 = arith.cmpi slt, %xor3A_332, %lt3A_334 : vector<16xi32>
    %add3A_336 = arith.constant 16 : i32
    %add3A_337 = vector.broadcast %add3A_336 : i32 to vector<16xi32>
    %add3A_338 = arith.addi %xor3A_332, %add3A_337 : vector<16xi32>
    %select_n3A_339 = arith.select %lt3A_335, %add3A_338, %xor3A_332 : vector<16xi1>, vector<16xi32>
    %broadcast_in_dim3A_340 = vector.shape_cast %select_n3A_339 : vector<16xi32> to vector<16x1xi32>
    %gather3A_341 = vector.shape_cast %broadcast_in_dim3A_340 : vector<16x1xi32> to vector<16xi32>
    %gather3A_342 = tpu.dynamic_gather %min3A_329[%gather3A_341] in [0] : vector<16xi32>, vector<16xi32> -> vector<16xi32>
    %min3A_343 = arith.minsi %min3A_329, %gather3A_342 : vector<16xi32>
    %xor3A_344 = arith.constant 4 : i32
    %xor3A_345 = vector.broadcast %xor3A_344 : i32 to vector<16xi32>
    %xor3A_346 = arith.xori %iota3A, %xor3A_345 : vector<16xi32>
    %lt3A_347 = arith.constant 0 : i32
    %lt3A_348 = vector.broadcast %lt3A_347 : i32 to vector<16xi32>
    %lt3A_349 = arith.cmpi slt, %xor3A_346, %lt3A_348 : vector<16xi32>
    %add3A_350 = arith.constant 16 : i32
    %add3A_351 = vector.broadcast %add3A_350 : i32 to vector<16xi32>
    %add3A_352 = arith.addi %xor3A_346, %add3A_351 : vector<16xi32>
    %select_n3A_353 = arith.select %lt3A_349, %add3A_352, %xor3A_346 : vector<16xi1>, vector<16xi32>
    %broadcast_in_dim3A_354 = vector.shape_cast %select_n3A_353 : vector<16xi32> to vector<16x1xi32>
    %gather3A_355 = vector.shape_cast %broadcast_in_dim3A_354 : vector<16x1xi32> to vector<16xi32>
    %gather3A_356 = tpu.dynamic_gather %min3A_343[%gather3A_355] in [0] : vector<16xi32>, vector<16xi32> -> vector<16xi32>
    %min3A_357 = arith.minsi %min3A_343, %gather3A_356 : vector<16xi32>
    %xor3A_358 = arith.constant 8 : i32
    %xor3A_359 = vector.broadcast %xor3A_358 : i32 to vector<16xi32>
    %xor3A_360 = arith.xori %iota3A, %xor3A_359 : vector<16xi32>
    %lt3A_361 = arith.constant 0 : i32
    %lt3A_362 = vector.broadcast %lt3A_361 : i32 to vector<16xi32>
    %lt3A_363 = arith.cmpi slt, %xor3A_360, %lt3A_362 : vector<16xi32>
    %add3A_364 = arith.constant 16 : i32
    %add3A_365 = vector.broadcast %add3A_364 : i32 to vector<16xi32>
    %add3A_366 = arith.addi %xor3A_360, %add3A_365 : vector<16xi32>
    %select_n3A_367 = arith.select %lt3A_363, %add3A_366, %xor3A_360 : vector<16xi1>, vector<16xi32>
    %broadcast_in_dim3A_368 = vector.shape_cast %select_n3A_367 : vector<16xi32> to vector<16x1xi32>
    %gather3A_369 = vector.shape_cast %broadcast_in_dim3A_368 : vector<16x1xi32> to vector<16xi32>
    %gather3A_370 = tpu.dynamic_gather %min3A_357[%gather3A_369] in [0] : vector<16xi32>, vector<16xi32> -> vector<16xi32>
    %min3A_371 = arith.minsi %min3A_357, %gather3A_370 : vector<16xi32>
    %eq3A_372 = arith.cmpi eq, %iota3A, %min3A_371 : vector<16xi32>
    %jit3A_373 = arith.constant -1.000000e+30 : f32
    %broadcast_in_dim3A_374 = vector.broadcast %jit3A_373 : f32 to vector<16xf32>
    %select_n3A_375 = arith.select %eq3A_372, %broadcast_in_dim3A_374, %get3A_255 : vector<16xi1>, vector<16xf32>
    %xor3A_376 = arith.constant 1 : i32
    %xor3A_377 = vector.broadcast %xor3A_376 : i32 to vector<16xi32>
    %xor3A_378 = arith.xori %iota3A, %xor3A_377 : vector<16xi32>
    %lt3A_379 = arith.constant 0 : i32
    %lt3A_380 = vector.broadcast %lt3A_379 : i32 to vector<16xi32>
    %lt3A_381 = arith.cmpi slt, %xor3A_378, %lt3A_380 : vector<16xi32>
    %add3A_382 = arith.constant 16 : i32
    %add3A_383 = vector.broadcast %add3A_382 : i32 to vector<16xi32>
    %add3A_384 = arith.addi %xor3A_378, %add3A_383 : vector<16xi32>
    %select_n3A_385 = arith.select %lt3A_381, %add3A_384, %xor3A_378 : vector<16xi1>, vector<16xi32>
    %broadcast_in_dim3A_386 = vector.shape_cast %select_n3A_385 : vector<16xi32> to vector<16x1xi32>
    %gather3A_387 = vector.shape_cast %broadcast_in_dim3A_386 : vector<16x1xi32> to vector<16xi32>
    %gather3A_388 = tpu.dynamic_gather %select_n3A_375[%gather3A_387] in [0] : vector<16xf32>, vector<16xi32> -> vector<16xf32>
    %max3A_389 = arith.maximumf %select_n3A_375, %gather3A_388 : vector<16xf32>
    %xor3A_390 = arith.constant 2 : i32
    %xor3A_391 = vector.broadcast %xor3A_390 : i32 to vector<16xi32>
    %xor3A_392 = arith.xori %iota3A, %xor3A_391 : vector<16xi32>
    %lt3A_393 = arith.constant 0 : i32
    %lt3A_394 = vector.broadcast %lt3A_393 : i32 to vector<16xi32>
    %lt3A_395 = arith.cmpi slt, %xor3A_392, %lt3A_394 : vector<16xi32>
    %add3A_396 = arith.constant 16 : i32
    %add3A_397 = vector.broadcast %add3A_396 : i32 to vector<16xi32>
    %add3A_398 = arith.addi %xor3A_392, %add3A_397 : vector<16xi32>
    %select_n3A_399 = arith.select %lt3A_395, %add3A_398, %xor3A_392 : vector<16xi1>, vector<16xi32>
    %broadcast_in_dim3A_400 = vector.shape_cast %select_n3A_399 : vector<16xi32> to vector<16x1xi32>
    %gather3A_401 = vector.shape_cast %broadcast_in_dim3A_400 : vector<16x1xi32> to vector<16xi32>
    %gather3A_402 = tpu.dynamic_gather %max3A_389[%gather3A_401] in [0] : vector<16xf32>, vector<16xi32> -> vector<16xf32>
    %max3A_403 = arith.maximumf %max3A_389, %gather3A_402 : vector<16xf32>
    %xor3A_404 = arith.constant 4 : i32
    %xor3A_405 = vector.broadcast %xor3A_404 : i32 to vector<16xi32>
    %xor3A_406 = arith.xori %iota3A, %xor3A_405 : vector<16xi32>
    %lt3A_407 = arith.constant 0 : i32
    %lt3A_408 = vector.broadcast %lt3A_407 : i32 to vector<16xi32>
    %lt3A_409 = arith.cmpi slt, %xor3A_406, %lt3A_408 : vector<16xi32>
    %add3A_410 = arith.constant 16 : i32
    %add3A_411 = vector.broadcast %add3A_410 : i32 to vector<16xi32>
    %add3A_412 = arith.addi %xor3A_406, %add3A_411 : vector<16xi32>
    %select_n3A_413 = arith.select %lt3A_409, %add3A_412, %xor3A_406 : vector<16xi1>, vector<16xi32>
    %broadcast_in_dim3A_414 = vector.shape_cast %select_n3A_413 : vector<16xi32> to vector<16x1xi32>
    %gather3A_415 = vector.shape_cast %broadcast_in_dim3A_414 : vector<16x1xi32> to vector<16xi32>
    %gather3A_416 = tpu.dynamic_gather %max3A_403[%gather3A_415] in [0] : vector<16xf32>, vector<16xi32> -> vector<16xf32>
    %max3A_417 = arith.maximumf %max3A_403, %gather3A_416 : vector<16xf32>
    %xor3A_418 = arith.constant 8 : i32
    %xor3A_419 = vector.broadcast %xor3A_418 : i32 to vector<16xi32>
    %xor3A_420 = arith.xori %iota3A, %xor3A_419 : vector<16xi32>
    %lt3A_421 = arith.constant 0 : i32
    %lt3A_422 = vector.broadcast %lt3A_421 : i32 to vector<16xi32>
    %lt3A_423 = arith.cmpi slt, %xor3A_420, %lt3A_422 : vector<16xi32>
    %add3A_424 = arith.constant 16 : i32
    %add3A_425 = vector.broadcast %add3A_424 : i32 to vector<16xi32>
    %add3A_426 = arith.addi %xor3A_420, %add3A_425 : vector<16xi32>
    %select_n3A_427 = arith.select %lt3A_423, %add3A_426, %xor3A_420 : vector<16xi1>, vector<16xi32>
    %broadcast_in_dim3A_428 = vector.shape_cast %select_n3A_427 : vector<16xi32> to vector<16x1xi32>
    %gather3A_429 = vector.shape_cast %broadcast_in_dim3A_428 : vector<16x1xi32> to vector<16xi32>
    %gather3A_430 = tpu.dynamic_gather %max3A_417[%gather3A_429] in [0] : vector<16xf32>, vector<16xi32> -> vector<16xf32>
    %max3A_431 = arith.maximumf %max3A_417, %gather3A_430 : vector<16xf32>
    %eq3A_432 = arith.cmpf oeq, %select_n3A_375, %max3A_431 : vector<16xf32>
    %broadcast_in_dim3A_433 = arith.constant 16 : i32
    %broadcast_in_dim3A_434 = vector.broadcast %broadcast_in_dim3A_433 : i32 to vector<16xi32>
    %select_n3A_435 = arith.select %eq3A_432, %iota3A, %broadcast_in_dim3A_434 : vector<16xi1>, vector<16xi32>
    %xor3A_436 = arith.constant 1 : i32
    %xor3A_437 = vector.broadcast %xor3A_436 : i32 to vector<16xi32>
    %xor3A_438 = arith.xori %iota3A, %xor3A_437 : vector<16xi32>
    %lt3A_439 = arith.constant 0 : i32
    %lt3A_440 = vector.broadcast %lt3A_439 : i32 to vector<16xi32>
    %lt3A_441 = arith.cmpi slt, %xor3A_438, %lt3A_440 : vector<16xi32>
    %add3A_442 = arith.constant 16 : i32
    %add3A_443 = vector.broadcast %add3A_442 : i32 to vector<16xi32>
    %add3A_444 = arith.addi %xor3A_438, %add3A_443 : vector<16xi32>
    %select_n3A_445 = arith.select %lt3A_441, %add3A_444, %xor3A_438 : vector<16xi1>, vector<16xi32>
    %broadcast_in_dim3A_446 = vector.shape_cast %select_n3A_445 : vector<16xi32> to vector<16x1xi32>
    %gather3A_447 = vector.shape_cast %broadcast_in_dim3A_446 : vector<16x1xi32> to vector<16xi32>
    %gather3A_448 = tpu.dynamic_gather %select_n3A_435[%gather3A_447] in [0] : vector<16xi32>, vector<16xi32> -> vector<16xi32>
    %min3A_449 = arith.minsi %select_n3A_435, %gather3A_448 : vector<16xi32>
    %xor3A_450 = arith.constant 2 : i32
    %xor3A_451 = vector.broadcast %xor3A_450 : i32 to vector<16xi32>
    %xor3A_452 = arith.xori %iota3A, %xor3A_451 : vector<16xi32>
    %lt3A_453 = arith.constant 0 : i32
    %lt3A_454 = vector.broadcast %lt3A_453 : i32 to vector<16xi32>
    %lt3A_455 = arith.cmpi slt, %xor3A_452, %lt3A_454 : vector<16xi32>
    %add3A_456 = arith.constant 16 : i32
    %add3A_457 = vector.broadcast %add3A_456 : i32 to vector<16xi32>
    %add3A_458 = arith.addi %xor3A_452, %add3A_457 : vector<16xi32>
    %select_n3A_459 = arith.select %lt3A_455, %add3A_458, %xor3A_452 : vector<16xi1>, vector<16xi32>
    %broadcast_in_dim3A_460 = vector.shape_cast %select_n3A_459 : vector<16xi32> to vector<16x1xi32>
    %gather3A_461 = vector.shape_cast %broadcast_in_dim3A_460 : vector<16x1xi32> to vector<16xi32>
    %gather3A_462 = tpu.dynamic_gather %min3A_449[%gather3A_461] in [0] : vector<16xi32>, vector<16xi32> -> vector<16xi32>
    %min3A_463 = arith.minsi %min3A_449, %gather3A_462 : vector<16xi32>
    %xor3A_464 = arith.constant 4 : i32
    %xor3A_465 = vector.broadcast %xor3A_464 : i32 to vector<16xi32>
    %xor3A_466 = arith.xori %iota3A, %xor3A_465 : vector<16xi32>
    %lt3A_467 = arith.constant 0 : i32
    %lt3A_468 = vector.broadcast %lt3A_467 : i32 to vector<16xi32>
    %lt3A_469 = arith.cmpi slt, %xor3A_466, %lt3A_468 : vector<16xi32>
    %add3A_470 = arith.constant 16 : i32
    %add3A_471 = vector.broadcast %add3A_470 : i32 to vector<16xi32>
    %add3A_472 = arith.addi %xor3A_466, %add3A_471 : vector<16xi32>
    %select_n3A_473 = arith.select %lt3A_469, %add3A_472, %xor3A_466 : vector<16xi1>, vector<16xi32>
    %broadcast_in_dim3A_474 = vector.shape_cast %select_n3A_473 : vector<16xi32> to vector<16x1xi32>
    %gather3A_475 = vector.shape_cast %broadcast_in_dim3A_474 : vector<16x1xi32> to vector<16xi32>
    %gather3A_476 = tpu.dynamic_gather %min3A_463[%gather3A_475] in [0] : vector<16xi32>, vector<16xi32> -> vector<16xi32>
    %min3A_477 = arith.minsi %min3A_463, %gather3A_476 : vector<16xi32>
    %xor3A_478 = arith.constant 8 : i32
    %xor3A_479 = vector.broadcast %xor3A_478 : i32 to vector<16xi32>
    %xor3A_480 = arith.xori %iota3A, %xor3A_479 : vector<16xi32>
    %lt3A_481 = arith.constant 0 : i32
    %lt3A_482 = vector.broadcast %lt3A_481 : i32 to vector<16xi32>
    %lt3A_483 = arith.cmpi slt, %xor3A_480, %lt3A_482 : vector<16xi32>
    %add3A_484 = arith.constant 16 : i32
    %add3A_485 = vector.broadcast %add3A_484 : i32 to vector<16xi32>
    %add3A_486 = arith.addi %xor3A_480, %add3A_485 : vector<16xi32>
    %select_n3A_487 = arith.select %lt3A_483, %add3A_486, %xor3A_480 : vector<16xi1>, vector<16xi32>
    %broadcast_in_dim3A_488 = vector.shape_cast %select_n3A_487 : vector<16xi32> to vector<16x1xi32>
    %gather3A_489 = vector.shape_cast %broadcast_in_dim3A_488 : vector<16x1xi32> to vector<16xi32>
    %gather3A_490 = tpu.dynamic_gather %min3A_477[%gather3A_489] in [0] : vector<16xi32>, vector<16xi32> -> vector<16xi32>
    %min3A_491 = arith.minsi %min3A_477, %gather3A_490 : vector<16xi32>
    %eq3A_492 = arith.cmpi eq, %iota3A, %min3A_491 : vector<16xi32>
    %sub3A_493 = arith.subf %max3A_431, %max3A_311 : vector<16xf32>
    %exp3A_494 = math.exp %sub3A_493 : vector<16xf32>
    %add3A_495 = arith.constant 1.000000e+00 : f32
    %add3A_496 = vector.broadcast %add3A_495 : f32 to vector<16xf32>
    %add3A_497 = arith.addf %add3A_496, %exp3A_494 : vector<16xf32>
    %div3A_498 = arith.constant 1.000000e+00 : f32
    %div3A_499 = vector.broadcast %div3A_498 : f32 to vector<16xf32>
    %div3A_500 = arith.divf %div3A_499, %add3A_497 : vector<16xf32>
    %div3A_501 = arith.divf %exp3A_494, %add3A_497 : vector<16xf32>
    %broadcast_in_dim3A_502 = arith.constant 0.000000e+00 : f32
    %broadcast_in_dim3A_503 = vector.broadcast %broadcast_in_dim3A_502 : f32 to vector<16xf32>
    %select_n3A_504 = arith.select %eq3A_372, %div3A_500, %broadcast_in_dim3A_503 : vector<16xi1>, vector<16xf32>
    %select_n3A_505 = arith.select %eq3A_492, %div3A_501, %broadcast_in_dim3A_503 : vector<16xi1>, vector<16xf32>
    %add3A_506 = arith.addf %select_n3A_504, %select_n3A_505 : vector<16xf32>
    %swap3A_507 = arith.constant 1 : i32
    %swap3A_508 = arith.index_cast %swap3A_507 : i32 to index
    %swap3A_509 = arith.constant 0 : index
    %swap3A_510 = tpu.vector_load %arg5[%swap3A_508, %swap3A_509] {strides = array<i32>} : memref<4x16xf32, #tpu.memory_space<vmem>>, vector<1x16xf32>,
    %swap3A_511 = vector.shape_cast %swap3A_510 : vector<1x16xf32> to vector<16xf32>
    %swap3A_512 = vector.shape_cast %add3A_506 : vector<16xf32> to vector<1x16xf32>
    tpu.vector_store %arg5[%swap3A_508, %swap3A_509], %swap3A_512 {strides = array<i32>} : memref<4x16xf32, #tpu.memory_space<vmem>>, vector<1x16xf32>,
    %get3A_513 = arith.constant 2 : i32
    %get3A_514 = arith.index_cast %get3A_513 : i32 to index
    %get3A_515 = arith.constant 0 : index
    %get3A_516 = tpu.vector_load %arg4[%get3A_514, %get3A_515] {strides = array<i32>} : memref<4x16xf32, #tpu.memory_space<vmem>>, vector<1x16xf32>,
    %get3A_517 = vector.shape_cast %get3A_516 : vector<1x16xf32> to vector<16xf32>
    %xor3A_518 = arith.constant 1 : i32
    %xor3A_519 = vector.broadcast %xor3A_518 : i32 to vector<16xi32>
    %xor3A_520 = arith.xori %iota3A, %xor3A_519 : vector<16xi32>
    %lt3A_521 = arith.constant 0 : i32
    %lt3A_522 = vector.broadcast %lt3A_521 : i32 to vector<16xi32>
    %lt3A_523 = arith.cmpi slt, %xor3A_520, %lt3A_522 : vector<16xi32>
    %add3A_524 = arith.constant 16 : i32
    %add3A_525 = vector.broadcast %add3A_524 : i32 to vector<16xi32>
    %add3A_526 = arith.addi %xor3A_520, %add3A_525 : vector<16xi32>
    %select_n3A_527 = arith.select %lt3A_523, %add3A_526, %xor3A_520 : vector<16xi1>, vector<16xi32>
    %broadcast_in_dim3A_528 = vector.shape_cast %select_n3A_527 : vector<16xi32> to vector<16x1xi32>
    %gather3A_529 = vector.shape_cast %broadcast_in_dim3A_528 : vector<16x1xi32> to vector<16xi32>
    %gather3A_530 = tpu.dynamic_gather %get3A_517[%gather3A_529] in [0] : vector<16xf32>, vector<16xi32> -> vector<16xf32>
    %max3A_531 = arith.maximumf %get3A_517, %gather3A_530 : vector<16xf32>
    %xor3A_532 = arith.constant 2 : i32
    %xor3A_533 = vector.broadcast %xor3A_532 : i32 to vector<16xi32>
    %xor3A_534 = arith.xori %iota3A, %xor3A_533 : vector<16xi32>
    %lt3A_535 = arith.constant 0 : i32
    %lt3A_536 = vector.broadcast %lt3A_535 : i32 to vector<16xi32>
    %lt3A_537 = arith.cmpi slt, %xor3A_534, %lt3A_536 : vector<16xi32>
    %add3A_538 = arith.constant 16 : i32
    %add3A_539 = vector.broadcast %add3A_538 : i32 to vector<16xi32>
    %add3A_540 = arith.addi %xor3A_534, %add3A_539 : vector<16xi32>
    %select_n3A_541 = arith.select %lt3A_537, %add3A_540, %xor3A_534 : vector<16xi1>, vector<16xi32>
    %broadcast_in_dim3A_542 = vector.shape_cast %select_n3A_541 : vector<16xi32> to vector<16x1xi32>
    %gather3A_543 = vector.shape_cast %broadcast_in_dim3A_542 : vector<16x1xi32> to vector<16xi32>
    %gather3A_544 = tpu.dynamic_gather %max3A_531[%gather3A_543] in [0] : vector<16xf32>, vector<16xi32> -> vector<16xf32>
    %max3A_545 = arith.maximumf %max3A_531, %gather3A_544 : vector<16xf32>
    %xor3A_546 = arith.constant 4 : i32
    %xor3A_547 = vector.broadcast %xor3A_546 : i32 to vector<16xi32>
    %xor3A_548 = arith.xori %iota3A, %xor3A_547 : vector<16xi32>
    %lt3A_549 = arith.constant 0 : i32
    %lt3A_550 = vector.broadcast %lt3A_549 : i32 to vector<16xi32>
    %lt3A_551 = arith.cmpi slt, %xor3A_548, %lt3A_550 : vector<16xi32>
    %add3A_552 = arith.constant 16 : i32
    %add3A_553 = vector.broadcast %add3A_552 : i32 to vector<16xi32>
    %add3A_554 = arith.addi %xor3A_548, %add3A_553 : vector<16xi32>
    %select_n3A_555 = arith.select %lt3A_551, %add3A_554, %xor3A_548 : vector<16xi1>, vector<16xi32>
    %broadcast_in_dim3A_556 = vector.shape_cast %select_n3A_555 : vector<16xi32> to vector<16x1xi32>
    %gather3A_557 = vector.shape_cast %broadcast_in_dim3A_556 : vector<16x1xi32> to vector<16xi32>
    %gather3A_558 = tpu.dynamic_gather %max3A_545[%gather3A_557] in [0] : vector<16xf32>, vector<16xi32> -> vector<16xf32>
    %max3A_559 = arith.maximumf %max3A_545, %gather3A_558 : vector<16xf32>
    %xor3A_560 = arith.constant 8 : i32
    %xor3A_561 = vector.broadcast %xor3A_560 : i32 to vector<16xi32>
    %xor3A_562 = arith.xori %iota3A, %xor3A_561 : vector<16xi32>
    %lt3A_563 = arith.constant 0 : i32
    %lt3A_564 = vector.broadcast %lt3A_563 : i32 to vector<16xi32>
    %lt3A_565 = arith.cmpi slt, %xor3A_562, %lt3A_564 : vector<16xi32>
    %add3A_566 = arith.constant 16 : i32
    %add3A_567 = vector.broadcast %add3A_566 : i32 to vector<16xi32>
    %add3A_568 = arith.addi %xor3A_562, %add3A_567 : vector<16xi32>
    %select_n3A_569 = arith.select %lt3A_565, %add3A_568, %xor3A_562 : vector<16xi1>, vector<16xi32>
    %broadcast_in_dim3A_570 = vector.shape_cast %select_n3A_569 : vector<16xi32> to vector<16x1xi32>
    %gather3A_571 = vector.shape_cast %broadcast_in_dim3A_570 : vector<16x1xi32> to vector<16xi32>
    %gather3A_572 = tpu.dynamic_gather %max3A_559[%gather3A_571] in [0] : vector<16xf32>, vector<16xi32> -> vector<16xf32>
    %max3A_573 = arith.maximumf %max3A_559, %gather3A_572 : vector<16xf32>
    %eq3A_574 = arith.cmpf oeq, %get3A_517, %max3A_573 : vector<16xf32>
    %broadcast_in_dim3A_575 = arith.constant 16 : i32
    %broadcast_in_dim3A_576 = vector.broadcast %broadcast_in_dim3A_575 : i32 to vector<16xi32>
    %select_n3A_577 = arith.select %eq3A_574, %iota3A, %broadcast_in_dim3A_576 : vector<16xi1>, vector<16xi32>
    %xor3A_578 = arith.constant 1 : i32
    %xor3A_579 = vector.broadcast %xor3A_578 : i32 to vector<16xi32>
    %xor3A_580 = arith.xori %iota3A, %xor3A_579 : vector<16xi32>
    %lt3A_581 = arith.constant 0 : i32
    %lt3A_582 = vector.broadcast %lt3A_581 : i32 to vector<16xi32>
    %lt3A_583 = arith.cmpi slt, %xor3A_580, %lt3A_582 : vector<16xi32>
    %add3A_584 = arith.constant 16 : i32
    %add3A_585 = vector.broadcast %add3A_584 : i32 to vector<16xi32>
    %add3A_586 = arith.addi %xor3A_580, %add3A_585 : vector<16xi32>
    %select_n3A_587 = arith.select %lt3A_583, %add3A_586, %xor3A_580 : vector<16xi1>, vector<16xi32>
    %broadcast_in_dim3A_588 = vector.shape_cast %select_n3A_587 : vector<16xi32> to vector<16x1xi32>
    %gather3A_589 = vector.shape_cast %broadcast_in_dim3A_588 : vector<16x1xi32> to vector<16xi32>
    %gather3A_590 = tpu.dynamic_gather %select_n3A_577[%gather3A_589] in [0] : vector<16xi32>, vector<16xi32> -> vector<16xi32>
    %min3A_591 = arith.minsi %select_n3A_577, %gather3A_590 : vector<16xi32>
    %xor3A_592 = arith.constant 2 : i32
    %xor3A_593 = vector.broadcast %xor3A_592 : i32 to vector<16xi32>
    %xor3A_594 = arith.xori %iota3A, %xor3A_593 : vector<16xi32>
    %lt3A_595 = arith.constant 0 : i32
    %lt3A_596 = vector.broadcast %lt3A_595 : i32 to vector<16xi32>
    %lt3A_597 = arith.cmpi slt, %xor3A_594, %lt3A_596 : vector<16xi32>
    %add3A_598 = arith.constant 16 : i32
    %add3A_599 = vector.broadcast %add3A_598 : i32 to vector<16xi32>
    %add3A_600 = arith.addi %xor3A_594, %add3A_599 : vector<16xi32>
    %select_n3A_601 = arith.select %lt3A_597, %add3A_600, %xor3A_594 : vector<16xi1>, vector<16xi32>
    %broadcast_in_dim3A_602 = vector.shape_cast %select_n3A_601 : vector<16xi32> to vector<16x1xi32>
    %gather3A_603 = vector.shape_cast %broadcast_in_dim3A_602 : vector<16x1xi32> to vector<16xi32>
    %gather3A_604 = tpu.dynamic_gather %min3A_591[%gather3A_603] in [0] : vector<16xi32>, vector<16xi32> -> vector<16xi32>
    %min3A_605 = arith.minsi %min3A_591, %gather3A_604 : vector<16xi32>
    %xor3A_606 = arith.constant 4 : i32
    %xor3A_607 = vector.broadcast %xor3A_606 : i32 to vector<16xi32>
    %xor3A_608 = arith.xori %iota3A, %xor3A_607 : vector<16xi32>
    %lt3A_609 = arith.constant 0 : i32
    %lt3A_610 = vector.broadcast %lt3A_609 : i32 to vector<16xi32>
    %lt3A_611 = arith.cmpi slt, %xor3A_608, %lt3A_610 : vector<16xi32>
    %add3A_612 = arith.constant 16 : i32
    %add3A_613 = vector.broadcast %add3A_612 : i32 to vector<16xi32>
    %add3A_614 = arith.addi %xor3A_608, %add3A_613 : vector<16xi32>
    %select_n3A_615 = arith.select %lt3A_611, %add3A_614, %xor3A_608 : vector<16xi1>, vector<16xi32>
    %broadcast_in_dim3A_616 = vector.shape_cast %select_n3A_615 : vector<16xi32> to vector<16x1xi32>
    %gather3A_617 = vector.shape_cast %broadcast_in_dim3A_616 : vector<16x1xi32> to vector<16xi32>
    %gather3A_618 = tpu.dynamic_gather %min3A_605[%gather3A_617] in [0] : vector<16xi32>, vector<16xi32> -> vector<16xi32>
    %min3A_619 = arith.minsi %min3A_605, %gather3A_618 : vector<16xi32>
    %xor3A_620 = arith.constant 8 : i32
    %xor3A_621 = vector.broadcast %xor3A_620 : i32 to vector<16xi32>
    %xor3A_622 = arith.xori %iota3A, %xor3A_621 : vector<16xi32>
    %lt3A_623 = arith.constant 0 : i32
    %lt3A_624 = vector.broadcast %lt3A_623 : i32 to vector<16xi32>
    %lt3A_625 = arith.cmpi slt, %xor3A_622, %lt3A_624 : vector<16xi32>
    %add3A_626 = arith.constant 16 : i32
    %add3A_627 = vector.broadcast %add3A_626 : i32 to vector<16xi32>
    %add3A_628 = arith.addi %xor3A_622, %add3A_627 : vector<16xi32>
    %select_n3A_629 = arith.select %lt3A_625, %add3A_628, %xor3A_622 : vector<16xi1>, vector<16xi32>
    %broadcast_in_dim3A_630 = vector.shape_cast %select_n3A_629 : vector<16xi32> to vector<16x1xi32>
    %gather3A_631 = vector.shape_cast %broadcast_in_dim3A_630 : vector<16x1xi32> to vector<16xi32>
    %gather3A_632 = tpu.dynamic_gather %min3A_619[%gather3A_631] in [0] : vector<16xi32>, vector<16xi32> -> vector<16xi32>
    %min3A_633 = arith.minsi %min3A_619, %gather3A_632 : vector<16xi32>
    %eq3A_634 = arith.cmpi eq, %iota3A, %min3A_633 : vector<16xi32>
    %jit3A_635 = arith.constant -1.000000e+30 : f32
    %broadcast_in_dim3A_636 = vector.broadcast %jit3A_635 : f32 to vector<16xf32>
    %select_n3A_637 = arith.select %eq3A_634, %broadcast_in_dim3A_636, %get3A_517 : vector<16xi1>, vector<16xf32>
    %xor3A_638 = arith.constant 1 : i32
    %xor3A_639 = vector.broadcast %xor3A_638 : i32 to vector<16xi32>
    %xor3A_640 = arith.xori %iota3A, %xor3A_639 : vector<16xi32>
    %lt3A_641 = arith.constant 0 : i32
    %lt3A_642 = vector.broadcast %lt3A_641 : i32 to vector<16xi32>
    %lt3A_643 = arith.cmpi slt, %xor3A_640, %lt3A_642 : vector<16xi32>
    %add3A_644 = arith.constant 16 : i32
    %add3A_645 = vector.broadcast %add3A_644 : i32 to vector<16xi32>
    %add3A_646 = arith.addi %xor3A_640, %add3A_645 : vector<16xi32>
    %select_n3A_647 = arith.select %lt3A_643, %add3A_646, %xor3A_640 : vector<16xi1>, vector<16xi32>
    %broadcast_in_dim3A_648 = vector.shape_cast %select_n3A_647 : vector<16xi32> to vector<16x1xi32>
    %gather3A_649 = vector.shape_cast %broadcast_in_dim3A_648 : vector<16x1xi32> to vector<16xi32>
    %gather3A_650 = tpu.dynamic_gather %select_n3A_637[%gather3A_649] in [0] : vector<16xf32>, vector<16xi32> -> vector<16xf32>
    %max3A_651 = arith.maximumf %select_n3A_637, %gather3A_650 : vector<16xf32>
    %xor3A_652 = arith.constant 2 : i32
    %xor3A_653 = vector.broadcast %xor3A_652 : i32 to vector<16xi32>
    %xor3A_654 = arith.xori %iota3A, %xor3A_653 : vector<16xi32>
    %lt3A_655 = arith.constant 0 : i32
    %lt3A_656 = vector.broadcast %lt3A_655 : i32 to vector<16xi32>
    %lt3A_657 = arith.cmpi slt, %xor3A_654, %lt3A_656 : vector<16xi32>
    %add3A_658 = arith.constant 16 : i32
    %add3A_659 = vector.broadcast %add3A_658 : i32 to vector<16xi32>
    %add3A_660 = arith.addi %xor3A_654, %add3A_659 : vector<16xi32>
    %select_n3A_661 = arith.select %lt3A_657, %add3A_660, %xor3A_654 : vector<16xi1>, vector<16xi32>
    %broadcast_in_dim3A_662 = vector.shape_cast %select_n3A_661 : vector<16xi32> to vector<16x1xi32>
    %gather3A_663 = vector.shape_cast %broadcast_in_dim3A_662 : vector<16x1xi32> to vector<16xi32>
    %gather3A_664 = tpu.dynamic_gather %max3A_651[%gather3A_663] in [0] : vector<16xf32>, vector<16xi32> -> vector<16xf32>
    %max3A_665 = arith.maximumf %max3A_651, %gather3A_664 : vector<16xf32>
    %xor3A_666 = arith.constant 4 : i32
    %xor3A_667 = vector.broadcast %xor3A_666 : i32 to vector<16xi32>
    %xor3A_668 = arith.xori %iota3A, %xor3A_667 : vector<16xi32>
    %lt3A_669 = arith.constant 0 : i32
    %lt3A_670 = vector.broadcast %lt3A_669 : i32 to vector<16xi32>
    %lt3A_671 = arith.cmpi slt, %xor3A_668, %lt3A_670 : vector<16xi32>
    %add3A_672 = arith.constant 16 : i32
    %add3A_673 = vector.broadcast %add3A_672 : i32 to vector<16xi32>
    %add3A_674 = arith.addi %xor3A_668, %add3A_673 : vector<16xi32>
    %select_n3A_675 = arith.select %lt3A_671, %add3A_674, %xor3A_668 : vector<16xi1>, vector<16xi32>
    %broadcast_in_dim3A_676 = vector.shape_cast %select_n3A_675 : vector<16xi32> to vector<16x1xi32>
    %gather3A_677 = vector.shape_cast %broadcast_in_dim3A_676 : vector<16x1xi32> to vector<16xi32>
    %gather3A_678 = tpu.dynamic_gather %max3A_665[%gather3A_677] in [0] : vector<16xf32>, vector<16xi32> -> vector<16xf32>
    %max3A_679 = arith.maximumf %max3A_665, %gather3A_678 : vector<16xf32>
    %xor3A_680 = arith.constant 8 : i32
    %xor3A_681 = vector.broadcast %xor3A_680 : i32 to vector<16xi32>
    %xor3A_682 = arith.xori %iota3A, %xor3A_681 : vector<16xi32>
    %lt3A_683 = arith.constant 0 : i32
    %lt3A_684 = vector.broadcast %lt3A_683 : i32 to vector<16xi32>
    %lt3A_685 = arith.cmpi slt, %xor3A_682, %lt3A_684 : vector<16xi32>
    %add3A_686 = arith.constant 16 : i32
    %add3A_687 = vector.broadcast %add3A_686 : i32 to vector<16xi32>
    %add3A_688 = arith.addi %xor3A_682, %add3A_687 : vector<16xi32>
    %select_n3A_689 = arith.select %lt3A_685, %add3A_688, %xor3A_682 : vector<16xi1>, vector<16xi32>
    %broadcast_in_dim3A_690 = vector.shape_cast %select_n3A_689 : vector<16xi32> to vector<16x1xi32>
    %gather3A_691 = vector.shape_cast %broadcast_in_dim3A_690 : vector<16x1xi32> to vector<16xi32>
    %gather3A_692 = tpu.dynamic_gather %max3A_679[%gather3A_691] in [0] : vector<16xf32>, vector<16xi32> -> vector<16xf32>
    %max3A_693 = arith.maximumf %max3A_679, %gather3A_692 : vector<16xf32>
    %eq3A_694 = arith.cmpf oeq, %select_n3A_637, %max3A_693 : vector<16xf32>
    %broadcast_in_dim3A_695 = arith.constant 16 : i32
    %broadcast_in_dim3A_696 = vector.broadcast %broadcast_in_dim3A_695 : i32 to vector<16xi32>
    %select_n3A_697 = arith.select %eq3A_694, %iota3A, %broadcast_in_dim3A_696 : vector<16xi1>, vector<16xi32>
    %xor3A_698 = arith.constant 1 : i32
    %xor3A_699 = vector.broadcast %xor3A_698 : i32 to vector<16xi32>
    %xor3A_700 = arith.xori %iota3A, %xor3A_699 : vector<16xi32>
    %lt3A_701 = arith.constant 0 : i32
    %lt3A_702 = vector.broadcast %lt3A_701 : i32 to vector<16xi32>
    %lt3A_703 = arith.cmpi slt, %xor3A_700, %lt3A_702 : vector<16xi32>
    %add3A_704 = arith.constant 16 : i32
    %add3A_705 = vector.broadcast %add3A_704 : i32 to vector<16xi32>
    %add3A_706 = arith.addi %xor3A_700, %add3A_705 : vector<16xi32>
    %select_n3A_707 = arith.select %lt3A_703, %add3A_706, %xor3A_700 : vector<16xi1>, vector<16xi32>
    %broadcast_in_dim3A_708 = vector.shape_cast %select_n3A_707 : vector<16xi32> to vector<16x1xi32>
    %gather3A_709 = vector.shape_cast %broadcast_in_dim3A_708 : vector<16x1xi32> to vector<16xi32>
    %gather3A_710 = tpu.dynamic_gather %select_n3A_697[%gather3A_709] in [0] : vector<16xi32>, vector<16xi32> -> vector<16xi32>
    %min3A_711 = arith.minsi %select_n3A_697, %gather3A_710 : vector<16xi32>
    %xor3A_712 = arith.constant 2 : i32
    %xor3A_713 = vector.broadcast %xor3A_712 : i32 to vector<16xi32>
    %xor3A_714 = arith.xori %iota3A, %xor3A_713 : vector<16xi32>
    %lt3A_715 = arith.constant 0 : i32
    %lt3A_716 = vector.broadcast %lt3A_715 : i32 to vector<16xi32>
    %lt3A_717 = arith.cmpi slt, %xor3A_714, %lt3A_716 : vector<16xi32>
    %add3A_718 = arith.constant 16 : i32
    %add3A_719 = vector.broadcast %add3A_718 : i32 to vector<16xi32>
    %add3A_720 = arith.addi %xor3A_714, %add3A_719 : vector<16xi32>
    %select_n3A_721 = arith.select %lt3A_717, %add3A_720, %xor3A_714 : vector<16xi1>, vector<16xi32>
    %broadcast_in_dim3A_722 = vector.shape_cast %select_n3A_721 : vector<16xi32> to vector<16x1xi32>
    %gather3A_723 = vector.shape_cast %broadcast_in_dim3A_722 : vector<16x1xi32> to vector<16xi32>
    %gather3A_724 = tpu.dynamic_gather %min3A_711[%gather3A_723] in [0] : vector<16xi32>, vector<16xi32> -> vector<16xi32>
    %min3A_725 = arith.minsi %min3A_711, %gather3A_724 : vector<16xi32>
    %xor3A_726 = arith.constant 4 : i32
    %xor3A_727 = vector.broadcast %xor3A_726 : i32 to vector<16xi32>
    %xor3A_728 = arith.xori %iota3A, %xor3A_727 : vector<16xi32>
    %lt3A_729 = arith.constant 0 : i32
    %lt3A_730 = vector.broadcast %lt3A_729 : i32 to vector<16xi32>
    %lt3A_731 = arith.cmpi slt, %xor3A_728, %lt3A_730 : vector<16xi32>
    %add3A_732 = arith.constant 16 : i32
    %add3A_733 = vector.broadcast %add3A_732 : i32 to vector<16xi32>
    %add3A_734 = arith.addi %xor3A_728, %add3A_733 : vector<16xi32>
    %select_n3A_735 = arith.select %lt3A_731, %add3A_734, %xor3A_728 : vector<16xi1>, vector<16xi32>
    %broadcast_in_dim3A_736 = vector.shape_cast %select_n3A_735 : vector<16xi32> to vector<16x1xi32>
    %gather3A_737 = vector.shape_cast %broadcast_in_dim3A_736 : vector<16x1xi32> to vector<16xi32>
    %gather3A_738 = tpu.dynamic_gather %min3A_725[%gather3A_737] in [0] : vector<16xi32>, vector<16xi32> -> vector<16xi32>
    %min3A_739 = arith.minsi %min3A_725, %gather3A_738 : vector<16xi32>
    %xor3A_740 = arith.constant 8 : i32
    %xor3A_741 = vector.broadcast %xor3A_740 : i32 to vector<16xi32>
    %xor3A_742 = arith.xori %iota3A, %xor3A_741 : vector<16xi32>
    %lt3A_743 = arith.constant 0 : i32
    %lt3A_744 = vector.broadcast %lt3A_743 : i32 to vector<16xi32>
    %lt3A_745 = arith.cmpi slt, %xor3A_742, %lt3A_744 : vector<16xi32>
    %add3A_746 = arith.constant 16 : i32
    %add3A_747 = vector.broadcast %add3A_746 : i32 to vector<16xi32>
    %add3A_748 = arith.addi %xor3A_742, %add3A_747 : vector<16xi32>
    %select_n3A_749 = arith.select %lt3A_745, %add3A_748, %xor3A_742 : vector<16xi1>, vector<16xi32>
    %broadcast_in_dim3A_750 = vector.shape_cast %select_n3A_749 : vector<16xi32> to vector<16x1xi32>
    %gather3A_751 = vector.shape_cast %broadcast_in_dim3A_750 : vector<16x1xi32> to vector<16xi32>
    %gather3A_752 = tpu.dynamic_gather %min3A_739[%gather3A_751] in [0] : vector<16xi32>, vector<16xi32> -> vector<16xi32>
    %min3A_753 = arith.minsi %min3A_739, %gather3A_752 : vector<16xi32>
    %eq3A_754 = arith.cmpi eq, %iota3A, %min3A_753 : vector<16xi32>
    %sub3A_755 = arith.subf %max3A_693, %max3A_573 : vector<16xf32>
    %exp3A_756 = math.exp %sub3A_755 : vector<16xf32>
    %add3A_757 = arith.constant 1.000000e+00 : f32
    %add3A_758 = vector.broadcast %add3A_757 : f32 to vector<16xf32>
    %add3A_759 = arith.addf %add3A_758, %exp3A_756 : vector<16xf32>
    %div3A_760 = arith.constant 1.000000e+00 : f32
    %div3A_761 = vector.broadcast %div3A_760 : f32 to vector<16xf32>
    %div3A_762 = arith.divf %div3A_761, %add3A_759 : vector<16xf32>
    %div3A_763 = arith.divf %exp3A_756, %add3A_759 : vector<16xf32>
    %broadcast_in_dim3A_764 = arith.constant 0.000000e+00 : f32
    %broadcast_in_dim3A_765 = vector.broadcast %broadcast_in_dim3A_764 : f32 to vector<16xf32>
    %select_n3A_766 = arith.select %eq3A_634, %div3A_762, %broadcast_in_dim3A_765 : vector<16xi1>, vector<16xf32>
    %select_n3A_767 = arith.select %eq3A_754, %div3A_763, %broadcast_in_dim3A_765 : vector<16xi1>, vector<16xf32>
    %add3A_768 = arith.addf %select_n3A_766, %select_n3A_767 : vector<16xf32>
    %swap3A_769 = arith.constant 2 : i32
    %swap3A_770 = arith.index_cast %swap3A_769 : i32 to index
    %swap3A_771 = arith.constant 0 : index
    %swap3A_772 = tpu.vector_load %arg5[%swap3A_770, %swap3A_771] {strides = array<i32>} : memref<4x16xf32, #tpu.memory_space<vmem>>, vector<1x16xf32>,
    %swap3A_773 = vector.shape_cast %swap3A_772 : vector<1x16xf32> to vector<16xf32>
    %swap3A_774 = vector.shape_cast %add3A_768 : vector<16xf32> to vector<1x16xf32>
    tpu.vector_store %arg5[%swap3A_770, %swap3A_771], %swap3A_774 {strides = array<i32>} : memref<4x16xf32, #tpu.memory_space<vmem>>, vector<1x16xf32>,
    %get3A_775 = arith.constant 3 : i32
    %get3A_776 = arith.index_cast %get3A_775 : i32 to index
    %get3A_777 = arith.constant 0 : index
    %get3A_778 = tpu.vector_load %arg4[%get3A_776, %get3A_777] {strides = array<i32>} : memref<4x16xf32, #tpu.memory_space<vmem>>, vector<1x16xf32>,
    %get3A_779 = vector.shape_cast %get3A_778 : vector<1x16xf32> to vector<16xf32>
    %xor3A_780 = arith.constant 1 : i32
    %xor3A_781 = vector.broadcast %xor3A_780 : i32 to vector<16xi32>
    %xor3A_782 = arith.xori %iota3A, %xor3A_781 : vector<16xi32>
    %lt3A_783 = arith.constant 0 : i32
    %lt3A_784 = vector.broadcast %lt3A_783 : i32 to vector<16xi32>
    %lt3A_785 = arith.cmpi slt, %xor3A_782, %lt3A_784 : vector<16xi32>
    %add3A_786 = arith.constant 16 : i32
    %add3A_787 = vector.broadcast %add3A_786 : i32 to vector<16xi32>
    %add3A_788 = arith.addi %xor3A_782, %add3A_787 : vector<16xi32>
    %select_n3A_789 = arith.select %lt3A_785, %add3A_788, %xor3A_782 : vector<16xi1>, vector<16xi32>
    %broadcast_in_dim3A_790 = vector.shape_cast %select_n3A_789 : vector<16xi32> to vector<16x1xi32>
    %gather3A_791 = vector.shape_cast %broadcast_in_dim3A_790 : vector<16x1xi32> to vector<16xi32>
    %gather3A_792 = tpu.dynamic_gather %get3A_779[%gather3A_791] in [0] : vector<16xf32>, vector<16xi32> -> vector<16xf32>
    %max3A_793 = arith.maximumf %get3A_779, %gather3A_792 : vector<16xf32>
    %xor3A_794 = arith.constant 2 : i32
    %xor3A_795 = vector.broadcast %xor3A_794 : i32 to vector<16xi32>
    %xor3A_796 = arith.xori %iota3A, %xor3A_795 : vector<16xi32>
    %lt3A_797 = arith.constant 0 : i32
    %lt3A_798 = vector.broadcast %lt3A_797 : i32 to vector<16xi32>
    %lt3A_799 = arith.cmpi slt, %xor3A_796, %lt3A_798 : vector<16xi32>
    %add3A_800 = arith.constant 16 : i32
    %add3A_801 = vector.broadcast %add3A_800 : i32 to vector<16xi32>
    %add3A_802 = arith.addi %xor3A_796, %add3A_801 : vector<16xi32>
    %select_n3A_803 = arith.select %lt3A_799, %add3A_802, %xor3A_796 : vector<16xi1>, vector<16xi32>
    %broadcast_in_dim3A_804 = vector.shape_cast %select_n3A_803 : vector<16xi32> to vector<16x1xi32>
    %gather3A_805 = vector.shape_cast %broadcast_in_dim3A_804 : vector<16x1xi32> to vector<16xi32>
    %gather3A_806 = tpu.dynamic_gather %max3A_793[%gather3A_805] in [0] : vector<16xf32>, vector<16xi32> -> vector<16xf32>
    %max3A_807 = arith.maximumf %max3A_793, %gather3A_806 : vector<16xf32>
    %xor3A_808 = arith.constant 4 : i32
    %xor3A_809 = vector.broadcast %xor3A_808 : i32 to vector<16xi32>
    %xor3A_810 = arith.xori %iota3A, %xor3A_809 : vector<16xi32>
    %lt3A_811 = arith.constant 0 : i32
    %lt3A_812 = vector.broadcast %lt3A_811 : i32 to vector<16xi32>
    %lt3A_813 = arith.cmpi slt, %xor3A_810, %lt3A_812 : vector<16xi32>
    %add3A_814 = arith.constant 16 : i32
    %add3A_815 = vector.broadcast %add3A_814 : i32 to vector<16xi32>
    %add3A_816 = arith.addi %xor3A_810, %add3A_815 : vector<16xi32>
    %select_n3A_817 = arith.select %lt3A_813, %add3A_816, %xor3A_810 : vector<16xi1>, vector<16xi32>
    %broadcast_in_dim3A_818 = vector.shape_cast %select_n3A_817 : vector<16xi32> to vector<16x1xi32>
    %gather3A_819 = vector.shape_cast %broadcast_in_dim3A_818 : vector<16x1xi32> to vector<16xi32>
    %gather3A_820 = tpu.dynamic_gather %max3A_807[%gather3A_819] in [0] : vector<16xf32>, vector<16xi32> -> vector<16xf32>
    %max3A_821 = arith.maximumf %max3A_807, %gather3A_820 : vector<16xf32>
    %xor3A_822 = arith.constant 8 : i32
    %xor3A_823 = vector.broadcast %xor3A_822 : i32 to vector<16xi32>
    %xor3A_824 = arith.xori %iota3A, %xor3A_823 : vector<16xi32>
    %lt3A_825 = arith.constant 0 : i32
    %lt3A_826 = vector.broadcast %lt3A_825 : i32 to vector<16xi32>
    %lt3A_827 = arith.cmpi slt, %xor3A_824, %lt3A_826 : vector<16xi32>
    %add3A_828 = arith.constant 16 : i32
    %add3A_829 = vector.broadcast %add3A_828 : i32 to vector<16xi32>
    %add3A_830 = arith.addi %xor3A_824, %add3A_829 : vector<16xi32>
    %select_n3A_831 = arith.select %lt3A_827, %add3A_830, %xor3A_824 : vector<16xi1>, vector<16xi32>
    %broadcast_in_dim3A_832 = vector.shape_cast %select_n3A_831 : vector<16xi32> to vector<16x1xi32>
    %gather3A_833 = vector.shape_cast %broadcast_in_dim3A_832 : vector<16x1xi32> to vector<16xi32>
    %gather3A_834 = tpu.dynamic_gather %max3A_821[%gather3A_833] in [0] : vector<16xf32>, vector<16xi32> -> vector<16xf32>
    %max3A_835 = arith.maximumf %max3A_821, %gather3A_834 : vector<16xf32>
    %eq3A_836 = arith.cmpf oeq, %get3A_779, %max3A_835 : vector<16xf32>
    %broadcast_in_dim3A_837 = arith.constant 16 : i32
    %broadcast_in_dim3A_838 = vector.broadcast %broadcast_in_dim3A_837 : i32 to vector<16xi32>
    %select_n3A_839 = arith.select %eq3A_836, %iota3A, %broadcast_in_dim3A_838 : vector<16xi1>, vector<16xi32>
    %xor3A_840 = arith.constant 1 : i32
    %xor3A_841 = vector.broadcast %xor3A_840 : i32 to vector<16xi32>
    %xor3A_842 = arith.xori %iota3A, %xor3A_841 : vector<16xi32>
    %lt3A_843 = arith.constant 0 : i32
    %lt3A_844 = vector.broadcast %lt3A_843 : i32 to vector<16xi32>
    %lt3A_845 = arith.cmpi slt, %xor3A_842, %lt3A_844 : vector<16xi32>
    %add3A_846 = arith.constant 16 : i32
    %add3A_847 = vector.broadcast %add3A_846 : i32 to vector<16xi32>
    %add3A_848 = arith.addi %xor3A_842, %add3A_847 : vector<16xi32>
    %select_n3A_849 = arith.select %lt3A_845, %add3A_848, %xor3A_842 : vector<16xi1>, vector<16xi32>
    %broadcast_in_dim3A_850 = vector.shape_cast %select_n3A_849 : vector<16xi32> to vector<16x1xi32>
    %gather3A_851 = vector.shape_cast %broadcast_in_dim3A_850 : vector<16x1xi32> to vector<16xi32>
    %gather3A_852 = tpu.dynamic_gather %select_n3A_839[%gather3A_851] in [0] : vector<16xi32>, vector<16xi32> -> vector<16xi32>
    %min3A_853 = arith.minsi %select_n3A_839, %gather3A_852 : vector<16xi32>
    %xor3A_854 = arith.constant 2 : i32
    %xor3A_855 = vector.broadcast %xor3A_854 : i32 to vector<16xi32>
    %xor3A_856 = arith.xori %iota3A, %xor3A_855 : vector<16xi32>
    %lt3A_857 = arith.constant 0 : i32
    %lt3A_858 = vector.broadcast %lt3A_857 : i32 to vector<16xi32>
    %lt3A_859 = arith.cmpi slt, %xor3A_856, %lt3A_858 : vector<16xi32>
    %add3A_860 = arith.constant 16 : i32
    %add3A_861 = vector.broadcast %add3A_860 : i32 to vector<16xi32>
    %add3A_862 = arith.addi %xor3A_856, %add3A_861 : vector<16xi32>
    %select_n3A_863 = arith.select %lt3A_859, %add3A_862, %xor3A_856 : vector<16xi1>, vector<16xi32>
    %broadcast_in_dim3A_864 = vector.shape_cast %select_n3A_863 : vector<16xi32> to vector<16x1xi32>
    %gather3A_865 = vector.shape_cast %broadcast_in_dim3A_864 : vector<16x1xi32> to vector<16xi32>
    %gather3A_866 = tpu.dynamic_gather %min3A_853[%gather3A_865] in [0] : vector<16xi32>, vector<16xi32> -> vector<16xi32>
    %min3A_867 = arith.minsi %min3A_853, %gather3A_866 : vector<16xi32>
    %xor3A_868 = arith.constant 4 : i32
    %xor3A_869 = vector.broadcast %xor3A_868 : i32 to vector<16xi32>
    %xor3A_870 = arith.xori %iota3A, %xor3A_869 : vector<16xi32>
    %lt3A_871 = arith.constant 0 : i32
    %lt3A_872 = vector.broadcast %lt3A_871 : i32 to vector<16xi32>
    %lt3A_873 = arith.cmpi slt, %xor3A_870, %lt3A_872 : vector<16xi32>
    %add3A_874 = arith.constant 16 : i32
    %add3A_875 = vector.broadcast %add3A_874 : i32 to vector<16xi32>
    %add3A_876 = arith.addi %xor3A_870, %add3A_875 : vector<16xi32>
    %select_n3A_877 = arith.select %lt3A_873, %add3A_876, %xor3A_870 : vector<16xi1>, vector<16xi32>
    %broadcast_in_dim3A_878 = vector.shape_cast %select_n3A_877 : vector<16xi32> to vector<16x1xi32>
    %gather3A_879 = vector.shape_cast %broadcast_in_dim3A_878 : vector<16x1xi32> to vector<16xi32>
    %gather3A_880 = tpu.dynamic_gather %min3A_867[%gather3A_879] in [0] : vector<16xi32>, vector<16xi32> -> vector<16xi32>
    %min3A_881 = arith.minsi %min3A_867, %gather3A_880 : vector<16xi32>
    %xor3A_882 = arith.constant 8 : i32
    %xor3A_883 = vector.broadcast %xor3A_882 : i32 to vector<16xi32>
    %xor3A_884 = arith.xori %iota3A, %xor3A_883 : vector<16xi32>
    %lt3A_885 = arith.constant 0 : i32
    %lt3A_886 = vector.broadcast %lt3A_885 : i32 to vector<16xi32>
    %lt3A_887 = arith.cmpi slt, %xor3A_884, %lt3A_886 : vector<16xi32>
    %add3A_888 = arith.constant 16 : i32
    %add3A_889 = vector.broadcast %add3A_888 : i32 to vector<16xi32>
    %add3A_890 = arith.addi %xor3A_884, %add3A_889 : vector<16xi32>
    %select_n3A_891 = arith.select %lt3A_887, %add3A_890, %xor3A_884 : vector<16xi1>, vector<16xi32>
    %broadcast_in_dim3A_892 = vector.shape_cast %select_n3A_891 : vector<16xi32> to vector<16x1xi32>
    %gather3A_893 = vector.shape_cast %broadcast_in_dim3A_892 : vector<16x1xi32> to vector<16xi32>
    %gather3A_894 = tpu.dynamic_gather %min3A_881[%gather3A_893] in [0] : vector<16xi32>, vector<16xi32> -> vector<16xi32>
    %min3A_895 = arith.minsi %min3A_881, %gather3A_894 : vector<16xi32>
    %eq3A_896 = arith.cmpi eq, %iota3A, %min3A_895 : vector<16xi32>
    %jit3A_897 = arith.constant -1.000000e+30 : f32
    %broadcast_in_dim3A_898 = vector.broadcast %jit3A_897 : f32 to vector<16xf32>
    %select_n3A_899 = arith.select %eq3A_896, %broadcast_in_dim3A_898, %get3A_779 : vector<16xi1>, vector<16xf32>
    %xor3A_900 = arith.constant 1 : i32
    %xor3A_901 = vector.broadcast %xor3A_900 : i32 to vector<16xi32>
    %xor3A_902 = arith.xori %iota3A, %xor3A_901 : vector<16xi32>
    %lt3A_903 = arith.constant 0 : i32
    %lt3A_904 = vector.broadcast %lt3A_903 : i32 to vector<16xi32>
    %lt3A_905 = arith.cmpi slt, %xor3A_902, %lt3A_904 : vector<16xi32>
    %add3A_906 = arith.constant 16 : i32
    %add3A_907 = vector.broadcast %add3A_906 : i32 to vector<16xi32>
    %add3A_908 = arith.addi %xor3A_902, %add3A_907 : vector<16xi32>
    %select_n3A_909 = arith.select %lt3A_905, %add3A_908, %xor3A_902 : vector<16xi1>, vector<16xi32>
    %broadcast_in_dim3A_910 = vector.shape_cast %select_n3A_909 : vector<16xi32> to vector<16x1xi32>
    %gather3A_911 = vector.shape_cast %broadcast_in_dim3A_910 : vector<16x1xi32> to vector<16xi32>
    %gather3A_912 = tpu.dynamic_gather %select_n3A_899[%gather3A_911] in [0] : vector<16xf32>, vector<16xi32> -> vector<16xf32>
    %max3A_913 = arith.maximumf %select_n3A_899, %gather3A_912 : vector<16xf32>
    %xor3A_914 = arith.constant 2 : i32
    %xor3A_915 = vector.broadcast %xor3A_914 : i32 to vector<16xi32>
    %xor3A_916 = arith.xori %iota3A, %xor3A_915 : vector<16xi32>
    %lt3A_917 = arith.constant 0 : i32
    %lt3A_918 = vector.broadcast %lt3A_917 : i32 to vector<16xi32>
    %lt3A_919 = arith.cmpi slt, %xor3A_916, %lt3A_918 : vector<16xi32>
    %add3A_920 = arith.constant 16 : i32
    %add3A_921 = vector.broadcast %add3A_920 : i32 to vector<16xi32>
    %add3A_922 = arith.addi %xor3A_916, %add3A_921 : vector<16xi32>
    %select_n3A_923 = arith.select %lt3A_919, %add3A_922, %xor3A_916 : vector<16xi1>, vector<16xi32>
    %broadcast_in_dim3A_924 = vector.shape_cast %select_n3A_923 : vector<16xi32> to vector<16x1xi32>
    %gather3A_925 = vector.shape_cast %broadcast_in_dim3A_924 : vector<16x1xi32> to vector<16xi32>
    %gather3A_926 = tpu.dynamic_gather %max3A_913[%gather3A_925] in [0] : vector<16xf32>, vector<16xi32> -> vector<16xf32>
    %max3A_927 = arith.maximumf %max3A_913, %gather3A_926 : vector<16xf32>
    %xor3A_928 = arith.constant 4 : i32
    %xor3A_929 = vector.broadcast %xor3A_928 : i32 to vector<16xi32>
    %xor3A_930 = arith.xori %iota3A, %xor3A_929 : vector<16xi32>
    %lt3A_931 = arith.constant 0 : i32
    %lt3A_932 = vector.broadcast %lt3A_931 : i32 to vector<16xi32>
    %lt3A_933 = arith.cmpi slt, %xor3A_930, %lt3A_932 : vector<16xi32>
    %add3A_934 = arith.constant 16 : i32
    %add3A_935 = vector.broadcast %add3A_934 : i32 to vector<16xi32>
    %add3A_936 = arith.addi %xor3A_930, %add3A_935 : vector<16xi32>
    %select_n3A_937 = arith.select %lt3A_933, %add3A_936, %xor3A_930 : vector<16xi1>, vector<16xi32>
    %broadcast_in_dim3A_938 = vector.shape_cast %select_n3A_937 : vector<16xi32> to vector<16x1xi32>
    %gather3A_939 = vector.shape_cast %broadcast_in_dim3A_938 : vector<16x1xi32> to vector<16xi32>
    %gather3A_940 = tpu.dynamic_gather %max3A_927[%gather3A_939] in [0] : vector<16xf32>, vector<16xi32> -> vector<16xf32>
    %max3A_941 = arith.maximumf %max3A_927, %gather3A_940 : vector<16xf32>
    %xor3A_942 = arith.constant 8 : i32
    %xor3A_943 = vector.broadcast %xor3A_942 : i32 to vector<16xi32>
    %xor3A_944 = arith.xori %iota3A, %xor3A_943 : vector<16xi32>
    %lt3A_945 = arith.constant 0 : i32
    %lt3A_946 = vector.broadcast %lt3A_945 : i32 to vector<16xi32>
    %lt3A_947 = arith.cmpi slt, %xor3A_944, %lt3A_946 : vector<16xi32>
    %add3A_948 = arith.constant 16 : i32
    %add3A_949 = vector.broadcast %add3A_948 : i32 to vector<16xi32>
    %add3A_950 = arith.addi %xor3A_944, %add3A_949 : vector<16xi32>
    %select_n3A_951 = arith.select %lt3A_947, %add3A_950, %xor3A_944 : vector<16xi1>, vector<16xi32>
    %broadcast_in_dim3A_952 = vector.shape_cast %select_n3A_951 : vector<16xi32> to vector<16x1xi32>
    %gather3A_953 = vector.shape_cast %broadcast_in_dim3A_952 : vector<16x1xi32> to vector<16xi32>
    %gather3A_954 = tpu.dynamic_gather %max3A_941[%gather3A_953] in [0] : vector<16xf32>, vector<16xi32> -> vector<16xf32>
    %max3A_955 = arith.maximumf %max3A_941, %gather3A_954 : vector<16xf32>
    %eq3A_956 = arith.cmpf oeq, %select_n3A_899, %max3A_955 : vector<16xf32>
    %broadcast_in_dim3A_957 = arith.constant 16 : i32
    %broadcast_in_dim3A_958 = vector.broadcast %broadcast_in_dim3A_957 : i32 to vector<16xi32>
    %select_n3A_959 = arith.select %eq3A_956, %iota3A, %broadcast_in_dim3A_958 : vector<16xi1>, vector<16xi32>
    %xor3A_960 = arith.constant 1 : i32
    %xor3A_961 = vector.broadcast %xor3A_960 : i32 to vector<16xi32>
    %xor3A_962 = arith.xori %iota3A, %xor3A_961 : vector<16xi32>
    %lt3A_963 = arith.constant 0 : i32
    %lt3A_964 = vector.broadcast %lt3A_963 : i32 to vector<16xi32>
    %lt3A_965 = arith.cmpi slt, %xor3A_962, %lt3A_964 : vector<16xi32>
    %add3A_966 = arith.constant 16 : i32
    %add3A_967 = vector.broadcast %add3A_966 : i32 to vector<16xi32>
    %add3A_968 = arith.addi %xor3A_962, %add3A_967 : vector<16xi32>
    %select_n3A_969 = arith.select %lt3A_965, %add3A_968, %xor3A_962 : vector<16xi1>, vector<16xi32>
    %broadcast_in_dim3A_970 = vector.shape_cast %select_n3A_969 : vector<16xi32> to vector<16x1xi32>
    %gather3A_971 = vector.shape_cast %broadcast_in_dim3A_970 : vector<16x1xi32> to vector<16xi32>
    %gather3A_972 = tpu.dynamic_gather %select_n3A_959[%gather3A_971] in [0] : vector<16xi32>, vector<16xi32> -> vector<16xi32>
    %min3A_973 = arith.minsi %select_n3A_959, %gather3A_972 : vector<16xi32>
    %xor3A_974 = arith.constant 2 : i32
    %xor3A_975 = vector.broadcast %xor3A_974 : i32 to vector<16xi32>
    %xor3A_976 = arith.xori %iota3A, %xor3A_975 : vector<16xi32>
    %lt3A_977 = arith.constant 0 : i32
    %lt3A_978 = vector.broadcast %lt3A_977 : i32 to vector<16xi32>
    %lt3A_979 = arith.cmpi slt, %xor3A_976, %lt3A_978 : vector<16xi32>
    %add3A_980 = arith.constant 16 : i32
    %add3A_981 = vector.broadcast %add3A_980 : i32 to vector<16xi32>
    %add3A_982 = arith.addi %xor3A_976, %add3A_981 : vector<16xi32>
    %select_n3A_983 = arith.select %lt3A_979, %add3A_982, %xor3A_976 : vector<16xi1>, vector<16xi32>
    %broadcast_in_dim3A_984 = vector.shape_cast %select_n3A_983 : vector<16xi32> to vector<16x1xi32>
    %gather3A_985 = vector.shape_cast %broadcast_in_dim3A_984 : vector<16x1xi32> to vector<16xi32>
    %gather3A_986 = tpu.dynamic_gather %min3A_973[%gather3A_985] in [0] : vector<16xi32>, vector<16xi32> -> vector<16xi32>
    %min3A_987 = arith.minsi %min3A_973, %gather3A_986 : vector<16xi32>
    %xor3A_988 = arith.constant 4 : i32
    %xor3A_989 = vector.broadcast %xor3A_988 : i32 to vector<16xi32>
    %xor3A_990 = arith.xori %iota3A, %xor3A_989 : vector<16xi32>
    %lt3A_991 = arith.constant 0 : i32
    %lt3A_992 = vector.broadcast %lt3A_991 : i32 to vector<16xi32>
    %lt3A_993 = arith.cmpi slt, %xor3A_990, %lt3A_992 : vector<16xi32>
    %add3A_994 = arith.constant 16 : i32
    %add3A_995 = vector.broadcast %add3A_994 : i32 to vector<16xi32>
    %add3A_996 = arith.addi %xor3A_990, %add3A_995 : vector<16xi32>
    %select_n3A_997 = arith.select %lt3A_993, %add3A_996, %xor3A_990 : vector<16xi1>, vector<16xi32>
    %broadcast_in_dim3A_998 = vector.shape_cast %select_n3A_997 : vector<16xi32> to vector<16x1xi32>
    %gather3A_999 = vector.shape_cast %broadcast_in_dim3A_998 : vector<16x1xi32> to vector<16xi32>
    %gather3A_1000 = tpu.dynamic_gather %min3A_987[%gather3A_999] in [0] : vector<16xi32>, vector<16xi32> -> vector<16xi32>
    %min3A_1001 = arith.minsi %min3A_987, %gather3A_1000 : vector<16xi32>
    %xor3A_1002 = arith.constant 8 : i32
    %xor3A_1003 = vector.broadcast %xor3A_1002 : i32 to vector<16xi32>
    %xor3A_1004 = arith.xori %iota3A, %xor3A_1003 : vector<16xi32>
    %lt3A_1005 = arith.constant 0 : i32
    %lt3A_1006 = vector.broadcast %lt3A_1005 : i32 to vector<16xi32>
    %lt3A_1007 = arith.cmpi slt, %xor3A_1004, %lt3A_1006 : vector<16xi32>
    %add3A_1008 = arith.constant 16 : i32
    %add3A_1009 = vector.broadcast %add3A_1008 : i32 to vector<16xi32>
    %add3A_1010 = arith.addi %xor3A_1004, %add3A_1009 : vector<16xi32>
    %select_n3A_1011 = arith.select %lt3A_1007, %add3A_1010, %xor3A_1004 : vector<16xi1>, vector<16xi32>
    %broadcast_in_dim3A_1012 = vector.shape_cast %select_n3A_1011 : vector<16xi32> to vector<16x1xi32>
    %gather3A_1013 = vector.shape_cast %broadcast_in_dim3A_1012 : vector<16x1xi32> to vector<16xi32>
    %gather3A_1014 = tpu.dynamic_gather %min3A_1001[%gather3A_1013] in [0] : vector<16xi32>, vector<16xi32> -> vector<16xi32>
    %min3A_1015 = arith.minsi %min3A_1001, %gather3A_1014 : vector<16xi32>
    %eq3A_1016 = arith.cmpi eq, %iota3A, %min3A_1015 : vector<16xi32>
    %sub3A_1017 = arith.subf %max3A_955, %max3A_835 : vector<16xf32>
    %exp3A_1018 = math.exp %sub3A_1017 : vector<16xf32>
    %add3A_1019 = arith.constant 1.000000e+00 : f32
    %add3A_1020 = vector.broadcast %add3A_1019 : f32 to vector<16xf32>
    %add3A_1021 = arith.addf %add3A_1020, %exp3A_1018 : vector<16xf32>
    %div3A_1022 = arith.constant 1.000000e+00 : f32
    %div3A_1023 = vector.broadcast %div3A_1022 : f32 to vector<16xf32>
    %div3A_1024 = arith.divf %div3A_1023, %add3A_1021 : vector<16xf32>
    %div3A_1025 = arith.divf %exp3A_1018, %add3A_1021 : vector<16xf32>
    %broadcast_in_dim3A_1026 = arith.constant 0.000000e+00 : f32
    %broadcast_in_dim3A_1027 = vector.broadcast %broadcast_in_dim3A_1026 : f32 to vector<16xf32>
    %select_n3A_1028 = arith.select %eq3A_896, %div3A_1024, %broadcast_in_dim3A_1027 : vector<16xi1>, vector<16xf32>
    %select_n3A_1029 = arith.select %eq3A_1016, %div3A_1025, %broadcast_in_dim3A_1027 : vector<16xi1>, vector<16xf32>
    %add3A_1030 = arith.addf %select_n3A_1028, %select_n3A_1029 : vector<16xf32>
    %swap3A_1031 = arith.constant 3 : i32
    %swap3A_1032 = arith.index_cast %swap3A_1031 : i32 to index
    %swap3A_1033 = arith.constant 0 : index
    %swap3A_1034 = tpu.vector_load %arg5[%swap3A_1032, %swap3A_1033] {strides = array<i32>} : memref<4x16xf32, #tpu.memory_space<vmem>>, vector<1x16xf32>,
    %swap3A_1035 = vector.shape_cast %swap3A_1034 : vector<1x16xf32> to vector<16xf32>
    %swap3A_1036 = vector.shape_cast %add3A_1030 : vector<16xf32> to vector<1x16xf32>
    tpu.vector_store %arg5[%swap3A_1032, %swap3A_1033], %swap3A_1036 {strides = array<i32>} : memref<4x16xf32, #tpu.memory_space<vmem>>, vector<1x16xf32>,
    "tpu.region"() ({
      %run_scoped3A = tpu.sem_alloc : memref<!tpu.dma_semaphore, #tpu.memory_space<semaphore_mem>>
      %dma_start3A = arith.constant 0 : i32
      %dma_start3A_1037 = tpu.memref_slice %arg3[%mul3A_2, %dma_start3A] : memref<128x16xf32, #tpu.memory_space<hbm>> -> memref<4x16xf32, #tpu.memory_space<hbm>>
      %dma_start3A_1038 = arith.constant 0 : i32
      %dma_start3A_1039 = tpu.memref_slice %arg3[%mul3A_2, %dma_start3A_1038] : memref<128x16xf32, #tpu.memory_space<hbm>> -> memref<4x16xf32, #tpu.memory_space<hbm>>
      tpu.enqueue_dma source(%arg5 : memref<4x16xf32, #tpu.memory_space<vmem>>) target(%dma_start3A_1039 : memref<4x16xf32, #tpu.memory_space<hbm>>) target_semaphore(%run_scoped3A : memref<!tpu.dma_semaphore, #tpu.memory_space<semaphore_mem>>)
      %dma_wait3A = arith.constant 0 : i32
      %dma_wait3A_1040 = tpu.memref_slice %arg3[%mul3A_2, %dma_wait3A] : memref<128x16xf32, #tpu.memory_space<hbm>> -> memref<4x16xf32, #tpu.memory_space<hbm>>
      %dma_wait3A_1041 = arith.constant 0 : i32
      %dma_wait3A_1042 = tpu.memref_slice %arg3[%mul3A_2, %dma_wait3A_1041] : memref<128x16xf32, #tpu.memory_space<hbm>> -> memref<4x16xf32, #tpu.memory_space<hbm>>
      tpu.wait_dma2 semaphore(%run_scoped3A : memref<!tpu.dma_semaphore, #tpu.memory_space<semaphore_mem>>) src(%arg5 : memref<4x16xf32, #tpu.memory_space<vmem>>) dst(%dma_wait3A_1042 : memref<4x16xf32, #tpu.memory_space<hbm>>)
      tpu.yield
    }) : () -> ()
    return
  }
}

module attributes {stable_mosaic.version = 14 : i64} {
  func.func @_norm_gate_body(%arg0: memref<128x768xf32, #tpu.memory_space<vmem>>, %arg1: memref<1x768xf32, #tpu.memory_space<vmem>>, %arg2: memref<16x768xbf16, #tpu.memory_space<vmem>>, %arg3: memref<1x16xbf16, #tpu.memory_space<vmem>>, %arg4: memref<128x768xbf16, #tpu.memory_space<vmem>>, %arg5: memref<128x16xf32, #tpu.memory_space<vmem>>) attributes {dimension_semantics = [], scalar_prefetch = 0 : i64, scratch_operands = 0 : i64, tpu.core_type = #tpu.core_type<tc>} {
    %get3A = arith.constant 0 : index
    %get3A_0 = arith.constant 0 : index
    %get3A_1 = vector.load %arg0[%get3A, %get3A_0] : memref<128x768xf32, #tpu.memory_space<vmem>>, vector<128x768xf32>
    %bitcast_convert_type3A = tpu.bitcast %get3A_1 : vector<128x768xf32> -> vector<128x768xi32>
    %shift_right_logical3A = arith.constant 16 : i32
    %shift_right_logical3A_2 = vector.broadcast %shift_right_logical3A : i32 to vector<128x768xi32>
    %shift_right_logical3A_3 = arith.shrui %bitcast_convert_type3A, %shift_right_logical3A_2 : vector<128x768xi32>
    %and3A = arith.constant 1 : i32
    %and3A_4 = vector.broadcast %and3A : i32 to vector<128x768xi32>
    %and3A_5 = arith.andi %shift_right_logical3A_3, %and3A_4 : vector<128x768xi32>
    %add3A = arith.constant 32767 : i32
    %add3A_6 = vector.broadcast %add3A : i32 to vector<128x768xi32>
    %add3A_7 = arith.addi %bitcast_convert_type3A, %add3A_6 : vector<128x768xi32>
    %add3A_8 = arith.addi %add3A_7, %and3A_5 : vector<128x768xi32>
    %and3A_9 = arith.constant -65536 : i32
    %and3A_10 = vector.broadcast %and3A_9 : i32 to vector<128x768xi32>
    %and3A_11 = arith.andi %add3A_8, %and3A_10 : vector<128x768xi32>
    %bitcast_convert_type3A_12 = tpu.bitcast %and3A_11 : vector<128x768xi32> -> vector<128x768xf32>
    %square3A = arith.mulf %bitcast_convert_type3A_12, %bitcast_convert_type3A_12 : vector<128x768xf32>
    %reduce_sum3A = arith.constant dense<0.000000e+00> : vector<128xf32>
    %reduce_sum3A_13 = vector.multi_reduction <add>, %square3A, %reduce_sum3A [1] : vector<128x768xf32> to vector<128xf32>
    %broadcast_in_dim3A = vector.shape_cast %reduce_sum3A_13 : vector<128xf32> to vector<128x1xf32>
    %div3A = arith.constant 7.680000e+02 : f32
    %div3A_14 = vector.broadcast %div3A : f32 to vector<128x1xf32>
    %div3A_15 = arith.divf %broadcast_in_dim3A, %div3A_14 : vector<128x1xf32>
    %add3A_16 = arith.constant 9.99999974E-6 : f32
    %add3A_17 = vector.broadcast %add3A_16 : f32 to vector<128x1xf32>
    %add3A_18 = arith.addf %div3A_15, %add3A_17 : vector<128x1xf32>
    %rsqrt3A = math.rsqrt %add3A_18 : vector<128x1xf32>
    %mul3A = vector.broadcast %rsqrt3A : vector<128x1xf32> to vector<128x768xf32>
    %mul3A_19 = arith.mulf %bitcast_convert_type3A_12, %mul3A : vector<128x768xf32>
    %get3A_20 = arith.constant 0 : index
    %get3A_21 = arith.constant 0 : index
    %get3A_22 = vector.load %arg1[%get3A_20, %get3A_21] : memref<1x768xf32, #tpu.memory_space<vmem>>, vector<1x768xf32>
    %mul3A_23 = vector.broadcast %get3A_22 : vector<1x768xf32> to vector<128x768xf32>
    %mul3A_24 = arith.mulf %mul3A_19, %mul3A_23 : vector<128x768xf32>
    %bitcast_convert_type3A_25 = tpu.bitcast %mul3A_24 : vector<128x768xf32> -> vector<128x768xi32>
    %shift_right_logical3A_26 = arith.constant 16 : i32
    %shift_right_logical3A_27 = vector.broadcast %shift_right_logical3A_26 : i32 to vector<128x768xi32>
    %shift_right_logical3A_28 = arith.shrui %bitcast_convert_type3A_25, %shift_right_logical3A_27 : vector<128x768xi32>
    %and3A_29 = arith.constant 1 : i32
    %and3A_30 = vector.broadcast %and3A_29 : i32 to vector<128x768xi32>
    %and3A_31 = arith.andi %shift_right_logical3A_28, %and3A_30 : vector<128x768xi32>
    %add3A_32 = arith.constant 32767 : i32
    %add3A_33 = vector.broadcast %add3A_32 : i32 to vector<128x768xi32>
    %add3A_34 = arith.addi %bitcast_convert_type3A_25, %add3A_33 : vector<128x768xi32>
    %add3A_35 = arith.addi %add3A_34, %and3A_31 : vector<128x768xi32>
    %and3A_36 = arith.constant -65536 : i32
    %and3A_37 = vector.broadcast %and3A_36 : i32 to vector<128x768xi32>
    %and3A_38 = arith.andi %add3A_35, %and3A_37 : vector<128x768xi32>
    %bitcast_convert_type3A_39 = tpu.bitcast %and3A_38 : vector<128x768xi32> -> vector<128x768xf32>
    %convert_element_type3A = arith.truncf %bitcast_convert_type3A_39 : vector<128x768xf32> to vector<128x768xbf16>
    %swap3A = arith.constant 0 : index
    %swap3A_40 = arith.constant 0 : index
    %swap3A_41 = vector.load %arg4[%swap3A, %swap3A_40] : memref<128x768xbf16, #tpu.memory_space<vmem>>, vector<128x768xbf16>
    tpu.vector_store %arg4[%swap3A, %swap3A_40], %convert_element_type3A {strides = array<i32>} : memref<128x768xbf16, #tpu.memory_space<vmem>>, vector<128x768xbf16>,
    %get3A_42 = arith.constant 0 : index
    %get3A_43 = arith.constant 0 : index
    %get3A_44 = vector.load %arg2[%get3A_42, %get3A_43] : memref<16x768xbf16, #tpu.memory_space<vmem>>, vector<16x768xbf16>
    %convert_element_type3A_45 = arith.extf %get3A_44 : vector<16x768xbf16> to vector<16x768xf32>
    %dot_general3A = arith.constant dense<0.000000e+00> : vector<128x16xf32>
    %dot_general3A_46 = tpu.matmul %bitcast_convert_type3A_39, %convert_element_type3A_45, %dot_general3A {dimension_numbers = #tpu.dot_dimension_numbers<[1], [1], [0], [0], [0, 0, 1, 0], [], []>, precision = #tpu.contract_precision<fp32>, transpose_lhs_hint = false} : vector<128x768xf32>, vector<16x768xf32>, vector<128x16xf32> -> vector<128x16xf32>
    %get3A_47 = arith.constant 0 : index
    %get3A_48 = arith.constant 0 : index
    %get3A_49 = vector.load %arg3[%get3A_47, %get3A_48] : memref<1x16xbf16, #tpu.memory_space<vmem>>, vector<1x16xbf16>
    %convert_element_type3A_50 = arith.extf %get3A_49 : vector<1x16xbf16> to vector<1x16xf32>
    %add3A_51 = vector.broadcast %convert_element_type3A_50 : vector<1x16xf32> to vector<128x16xf32>
    %add3A_52 = arith.addf %dot_general3A_46, %add3A_51 : vector<128x16xf32>
    %bitcast_convert_type3A_53 = tpu.bitcast %add3A_52 : vector<128x16xf32> -> vector<128x16xi32>
    %shift_right_logical3A_54 = arith.constant 16 : i32
    %shift_right_logical3A_55 = vector.broadcast %shift_right_logical3A_54 : i32 to vector<128x16xi32>
    %shift_right_logical3A_56 = arith.shrui %bitcast_convert_type3A_53, %shift_right_logical3A_55 : vector<128x16xi32>
    %and3A_57 = arith.constant 1 : i32
    %and3A_58 = vector.broadcast %and3A_57 : i32 to vector<128x16xi32>
    %and3A_59 = arith.andi %shift_right_logical3A_56, %and3A_58 : vector<128x16xi32>
    %add3A_60 = arith.constant 32767 : i32
    %add3A_61 = vector.broadcast %add3A_60 : i32 to vector<128x16xi32>
    %add3A_62 = arith.addi %bitcast_convert_type3A_53, %add3A_61 : vector<128x16xi32>
    %add3A_63 = arith.addi %add3A_62, %and3A_59 : vector<128x16xi32>
    %and3A_64 = arith.constant -65536 : i32
    %and3A_65 = vector.broadcast %and3A_64 : i32 to vector<128x16xi32>
    %and3A_66 = arith.andi %add3A_63, %and3A_65 : vector<128x16xi32>
    %bitcast_convert_type3A_67 = tpu.bitcast %and3A_66 : vector<128x16xi32> -> vector<128x16xf32>
    %swap3A_68 = arith.constant 0 : index
    %swap3A_69 = arith.constant 0 : index
    %swap3A_70 = vector.load %arg5[%swap3A_68, %swap3A_69] : memref<128x16xf32, #tpu.memory_space<vmem>>, vector<128x16xf32>
    tpu.vector_store %arg5[%swap3A_68, %swap3A_69], %bitcast_convert_type3A_67 {strides = array<i32>} : memref<128x16xf32, #tpu.memory_space<vmem>>, vector<128x16xf32>,
    return
  }
}

module attributes {stable_mosaic.version = 14 : i64} {
  func.func @_expert_body(%arg0: i32, %arg1: memref<128x768xbf16, #tpu.memory_space<vmem>>, %arg2: memref<128x16xf32, #tpu.memory_space<vmem>>, %arg3: memref<128x768xf32, #tpu.memory_space<vmem>>, %arg4: memref<1x384x768xbf16, #tpu.memory_space<vmem>>, %arg5: memref<1x384x768xbf16, #tpu.memory_space<vmem>>, %arg6: memref<1x384x768xbf16, #tpu.memory_space<vmem>>, %arg7: memref<1x384x768xbf16, #tpu.memory_space<vmem>>, %arg8: memref<1x768x1xbf16, #tpu.memory_space<vmem>>, %arg9: memref<1x768x1xbf16, #tpu.memory_space<vmem>>, %arg10: memref<1x384x768xbf16, #tpu.memory_space<vmem>>, %arg11: memref<1x384x768xbf16, #tpu.memory_space<vmem>>, %arg12: memref<1x1x768xbf16, #tpu.memory_space<vmem>>, %arg13: memref<128x768xbf16, #tpu.memory_space<vmem>>, %arg14: memref<128x768xf32, #tpu.memory_space<vmem>>, %arg15: memref<1536x128xf32, #tpu.memory_space<vmem>>) attributes {dimension_semantics = [#tpu.dimension_semantics<arbitrary>], iteration_bounds = array<i64: 16>, scalar_prefetch = 0 : i64, scratch_operands = 2 : i64, tpu.core_type = #tpu.core_type<tc>, window_params = [{pipeline_mode = #tpu.pipeline_mode<synchronous>, transform_indices = @transform_0, window_bounds = array<i64: 128, 768>}, {pipeline_mode = #tpu.pipeline_mode<synchronous>, transform_indices = @transform_1, window_bounds = array<i64: 128, 16>}, {pipeline_mode = #tpu.pipeline_mode<synchronous>, transform_indices = @transform_2, window_bounds = array<i64: 128, 768>}, {transform_indices = @transform_3, window_bounds = array<i64: 1, 384, 768>}, {transform_indices = @transform_4, window_bounds = array<i64: 1, 384, 768>}, {transform_indices = @transform_5, window_bounds = array<i64: 1, 384, 768>}, {transform_indices = @transform_6, window_bounds = array<i64: 1, 384, 768>}, {transform_indices = @transform_7, window_bounds = array<i64: 1, 768, 1>}, {transform_indices = @transform_8, window_bounds = array<i64: 1, 768, 1>}, {transform_indices = @transform_9, window_bounds = array<i64: 1, 384, 768>}, {transform_indices = @transform_10, window_bounds = array<i64: 1, 384, 768>}, {transform_indices = @transform_11, window_bounds = array<i64: 1, 1, 768>}, {pipeline_mode = #tpu.pipeline_mode<synchronous>, transform_indices = @transform_12, window_bounds = array<i64: 128, 768>}]} {
    %eq3A = arith.constant 0 : i32
    %eq3A_0 = arith.cmpi eq, %arg0, %eq3A : i32
    %convert_element_type3A = arith.extui %eq3A_0 : i1 to i32
    %cond3A = arith.constant 0 : i32
    %cond3A_1 = arith.cmpi ne, %convert_element_type3A, %cond3A : i32
    scf.if %cond3A_1 {
      %broadcast_in_dim3A_127 = arith.constant 0.000000e+00 : f32
      %broadcast_in_dim3A_128 = vector.broadcast %broadcast_in_dim3A_127 : f32 to vector<128x768xf32>
      %swap3A_129 = arith.constant 0 : index
      %swap3A_130 = arith.constant 0 : index
      %swap3A_131 = vector.load %arg14[%swap3A_129, %swap3A_130] : memref<128x768xf32, #tpu.memory_space<vmem>>, vector<128x768xf32>
      tpu.vector_store %arg14[%swap3A_129, %swap3A_130], %broadcast_in_dim3A_128 {strides = array<i32>} : memref<128x768xf32, #tpu.memory_space<vmem>>, vector<128x768xf32>,
    } else {
    }
    %get3A = arith.constant 0 : index
    %get3A_2 = arith.constant 0 : index
    %get3A_3 = vector.load %arg1[%get3A, %get3A_2] : memref<128x768xbf16, #tpu.memory_space<vmem>>, vector<128x768xbf16>
    %get3A_4 = arith.constant 0 : index
    %get3A_5 = arith.constant 0 : index
    %get3A_6 = arith.constant 0 : index
    %get3A_7 = vector.load %arg4[%get3A_4, %get3A_5, %get3A_6] : memref<1x384x768xbf16, #tpu.memory_space<vmem>>, vector<1x384x768xbf16>
    %get3A_8 = vector.shape_cast %get3A_7 : vector<1x384x768xbf16> to vector<384x768xbf16>
    %dot_general3A = arith.constant dense<0.000000e+00> : vector<384x128xf32>
    %dot_general3A_9 = tpu.matmul %get3A_8, %get3A_3, %dot_general3A {dimension_numbers = #tpu.dot_dimension_numbers<[1], [1], [0], [0], [0, 0, 1, 0], [], []>, transpose_lhs_hint = false} : vector<384x768xbf16>, vector<128x768xbf16>, vector<384x128xf32> -> vector<384x128xf32>
    %swap3A = arith.constant 0 : index
    %swap3A_10 = arith.constant 0 : index
    %swap3A_11 = vector.load %arg15[%swap3A, %swap3A_10] : memref<1536x128xf32, #tpu.memory_space<vmem>>, vector<384x128xf32>
    tpu.vector_store %arg15[%swap3A, %swap3A_10], %dot_general3A_9 {strides = array<i32>} : memref<1536x128xf32, #tpu.memory_space<vmem>>, vector<384x128xf32>,
    %get3A_12 = arith.constant 0 : index
    %get3A_13 = arith.constant 0 : index
    %get3A_14 = arith.constant 0 : index
    %get3A_15 = vector.load %arg5[%get3A_12, %get3A_13, %get3A_14] : memref<1x384x768xbf16, #tpu.memory_space<vmem>>, vector<1x384x768xbf16>
    %get3A_16 = vector.shape_cast %get3A_15 : vector<1x384x768xbf16> to vector<384x768xbf16>
    %dot_general3A_17 = arith.constant dense<0.000000e+00> : vector<384x128xf32>
    %dot_general3A_18 = tpu.matmul %get3A_16, %get3A_3, %dot_general3A_17 {dimension_numbers = #tpu.dot_dimension_numbers<[1], [1], [0], [0], [0, 0, 1, 0], [], []>, transpose_lhs_hint = false} : vector<384x768xbf16>, vector<128x768xbf16>, vector<384x128xf32> -> vector<384x128xf32>
    %swap3A_19 = arith.constant 384 : index
    %swap3A_20 = arith.constant 0 : index
    %swap3A_21 = vector.load %arg15[%swap3A_19, %swap3A_20] : memref<1536x128xf32, #tpu.memory_space<vmem>>, vector<384x128xf32>
    tpu.vector_store %arg15[%swap3A_19, %swap3A_20], %dot_general3A_18 {strides = array<i32>} : memref<1536x128xf32, #tpu.memory_space<vmem>>, vector<384x128xf32>,
    %get3A_22 = arith.constant 0 : index
    %get3A_23 = arith.constant 0 : index
    %get3A_24 = arith.constant 0 : index
    %get3A_25 = vector.load %arg6[%get3A_22, %get3A_23, %get3A_24] : memref<1x384x768xbf16, #tpu.memory_space<vmem>>, vector<1x384x768xbf16>
    %get3A_26 = vector.shape_cast %get3A_25 : vector<1x384x768xbf16> to vector<384x768xbf16>
    %dot_general3A_27 = arith.constant dense<0.000000e+00> : vector<384x128xf32>
    %dot_general3A_28 = tpu.matmul %get3A_26, %get3A_3, %dot_general3A_27 {dimension_numbers = #tpu.dot_dimension_numbers<[1], [1], [0], [0], [0, 0, 1, 0], [], []>, transpose_lhs_hint = false} : vector<384x768xbf16>, vector<128x768xbf16>, vector<384x128xf32> -> vector<384x128xf32>
    %swap3A_29 = arith.constant 768 : index
    %swap3A_30 = arith.constant 0 : index
    %swap3A_31 = vector.load %arg15[%swap3A_29, %swap3A_30] : memref<1536x128xf32, #tpu.memory_space<vmem>>, vector<384x128xf32>
    tpu.vector_store %arg15[%swap3A_29, %swap3A_30], %dot_general3A_28 {strides = array<i32>} : memref<1536x128xf32, #tpu.memory_space<vmem>>, vector<384x128xf32>,
    %get3A_32 = arith.constant 0 : index
    %get3A_33 = arith.constant 0 : index
    %get3A_34 = arith.constant 0 : index
    %get3A_35 = vector.load %arg7[%get3A_32, %get3A_33, %get3A_34] : memref<1x384x768xbf16, #tpu.memory_space<vmem>>, vector<1x384x768xbf16>
    %get3A_36 = vector.shape_cast %get3A_35 : vector<1x384x768xbf16> to vector<384x768xbf16>
    %dot_general3A_37 = arith.constant dense<0.000000e+00> : vector<384x128xf32>
    %dot_general3A_38 = tpu.matmul %get3A_36, %get3A_3, %dot_general3A_37 {dimension_numbers = #tpu.dot_dimension_numbers<[1], [1], [0], [0], [0, 0, 1, 0], [], []>, transpose_lhs_hint = false} : vector<384x768xbf16>, vector<128x768xbf16>, vector<384x128xf32> -> vector<384x128xf32>
    %swap3A_39 = arith.constant 1152 : index
    %swap3A_40 = arith.constant 0 : index
    %swap3A_41 = vector.load %arg15[%swap3A_39, %swap3A_40] : memref<1536x128xf32, #tpu.memory_space<vmem>>, vector<384x128xf32>
    tpu.vector_store %arg15[%swap3A_39, %swap3A_40], %dot_general3A_38 {strides = array<i32>} : memref<1536x128xf32, #tpu.memory_space<vmem>>, vector<384x128xf32>,
    %get3A_42 = arith.constant 0 : index
    %get3A_43 = arith.constant 0 : index
    %get3A_44 = tpu.strided_load %arg15[%get3A_42, %get3A_43] {strides = array<i32: 2, 1>} : memref<1536x128xf32, #tpu.memory_space<vmem>>, vector<768x128xf32>
    %get3A_45 = arith.constant 0 : index
    %get3A_46 = arith.constant 0 : index
    %get3A_47 = arith.constant 0 : index
    %get3A_48 = vector.load %arg8[%get3A_45, %get3A_46, %get3A_47] : memref<1x768x1xbf16, #tpu.memory_space<vmem>>, vector<1x768x1xbf16>
    %get3A_49 = vector.shape_cast %get3A_48 : vector<1x768x1xbf16> to vector<768x1xbf16>
    %convert_element_type3A_50 = arith.extf %get3A_49 : vector<768x1xbf16> to vector<768x1xf32>
    %add3A = vector.broadcast %convert_element_type3A_50 : vector<768x1xf32> to vector<768x128xf32>
    %add3A_51 = arith.addf %get3A_44, %add3A : vector<768x128xf32>
    %get3A_52 = arith.constant 1 : index
    %get3A_53 = arith.constant 0 : index
    %get3A_54 = tpu.strided_load %arg15[%get3A_52, %get3A_53] {strides = array<i32: 2, 1>} : memref<1536x128xf32, #tpu.memory_space<vmem>>, vector<768x128xf32>
    %get3A_55 = arith.constant 0 : index
    %get3A_56 = arith.constant 0 : index
    %get3A_57 = arith.constant 0 : index
    %get3A_58 = vector.load %arg9[%get3A_55, %get3A_56, %get3A_57] : memref<1x768x1xbf16, #tpu.memory_space<vmem>>, vector<1x768x1xbf16>
    %get3A_59 = vector.shape_cast %get3A_58 : vector<1x768x1xbf16> to vector<768x1xbf16>
    %convert_element_type3A_60 = arith.extf %get3A_59 : vector<768x1xbf16> to vector<768x1xf32>
    %add3A_61 = vector.broadcast %convert_element_type3A_60 : vector<768x1xf32> to vector<768x128xf32>
    %add3A_62 = arith.addf %get3A_54, %add3A_61 : vector<768x128xf32>
    %min3A = arith.constant 7.000000e+00 : f32
    %min3A_63 = vector.broadcast %min3A : f32 to vector<768x128xf32>
    %min3A_64 = arith.minimumf %add3A_51, %min3A_63 : vector<768x128xf32>
    %neg3A = arith.constant 0.000000e+00 : f32
    %neg3A_65 = arith.constant 7.000000e+00 : f32
    %neg3A_66 = arith.subf %neg3A, %neg3A_65 : f32
    %jit3A = arith.constant 7.000000e+00 : f32
    %max3A = vector.broadcast %neg3A_66 : f32 to vector<768x128xf32>
    %max3A_67 = arith.maximumf %max3A, %add3A_62 : vector<768x128xf32>
    %min3A_68 = vector.broadcast %jit3A : f32 to vector<768x128xf32>
    %min3A_69 = arith.minimumf %min3A_68, %max3A_67 : vector<768x128xf32>
    %mul3A = arith.constant 1.702000e+00 : f32
    %mul3A_70 = vector.broadcast %mul3A : f32 to vector<768x128xf32>
    %mul3A_71 = arith.mulf %mul3A_70, %min3A_64 : vector<768x128xf32>
    %logistic3A = arith.negf %mul3A_71 : vector<768x128xf32>
    %logistic3A_72 = math.exp %logistic3A : vector<768x128xf32>
    %logistic3A_73 = arith.constant 1.000000e+00 : f32
    %logistic3A_74 = vector.broadcast %logistic3A_73 : f32 to vector<768x128xf32>
    %logistic3A_75 = arith.addf %logistic3A_74, %logistic3A_72 : vector<768x128xf32>
    %logistic3A_76 = arith.divf %logistic3A_74, %logistic3A_75 : vector<768x128xf32>
    %mul3A_77 = arith.mulf %min3A_64, %logistic3A_76 : vector<768x128xf32>
    %add3A_78 = arith.constant 1.000000e+00 : f32
    %add3A_79 = vector.broadcast %add3A_78 : f32 to vector<768x128xf32>
    %add3A_80 = arith.addf %min3A_69, %add3A_79 : vector<768x128xf32>
    %mul3A_81 = arith.mulf %mul3A_77, %add3A_80 : vector<768x128xf32>
    %convert_element_type3A_82 = arith.truncf %mul3A_81 : vector<768x128xf32> to vector<768x128xbf16>
    %get3A_83 = arith.constant 0 : index
    %get3A_84 = arith.constant 0 : index
    %get3A_85 = arith.constant 0 : index
    %get3A_86 = vector.load %arg10[%get3A_83, %get3A_84, %get3A_85] : memref<1x384x768xbf16, #tpu.memory_space<vmem>>, vector<1x384x768xbf16>
    %get3A_87 = vector.shape_cast %get3A_86 : vector<1x384x768xbf16> to vector<384x768xbf16>
    %dot_general3A_88 = arith.constant dense<0.000000e+00> : vector<128x384xf32>
    %dot_general3A_89 = tpu.matmul %convert_element_type3A_82, %get3A_87, %dot_general3A_88 {dimension_numbers = #tpu.dot_dimension_numbers<[0], [1], [1], [0], [0, 1, 1, 0], [], []>, transpose_lhs_hint = false} : vector<768x128xbf16>, vector<384x768xbf16>, vector<128x384xf32> -> vector<128x384xf32>
    %get3A_90 = arith.constant 0 : index
    %get3A_91 = arith.constant 0 : index
    %get3A_92 = arith.constant 0 : index
    %get3A_93 = vector.load %arg11[%get3A_90, %get3A_91, %get3A_92] : memref<1x384x768xbf16, #tpu.memory_space<vmem>>, vector<1x384x768xbf16>
    %get3A_94 = vector.shape_cast %get3A_93 : vector<1x384x768xbf16> to vector<384x768xbf16>
    %dot_general3A_95 = arith.constant dense<0.000000e+00> : vector<128x384xf32>
    %dot_general3A_96 = tpu.matmul %convert_element_type3A_82, %get3A_94, %dot_general3A_95 {dimension_numbers = #tpu.dot_dimension_numbers<[0], [1], [1], [0], [0, 1, 1, 0], [], []>, transpose_lhs_hint = false} : vector<768x128xbf16>, vector<384x768xbf16>, vector<128x384xf32> -> vector<128x384xf32>
    %concatenate3A = tpu.concatenate %dot_general3A_89, %dot_general3A_96 in 1 : vector<128x384xf32>, vector<128x384xf32> -> vector<128x768xf32>
    %get3A_97 = arith.constant 0 : index
    %get3A_98 = arith.constant 0 : index
    %get3A_99 = arith.constant 0 : index
    %get3A_100 = vector.load %arg12[%get3A_97, %get3A_98, %get3A_99] : memref<1x1x768xbf16, #tpu.memory_space<vmem>>, vector<1x1x768xbf16>
    %get3A_101 = vector.shape_cast %get3A_100 : vector<1x1x768xbf16> to vector<1x768xbf16>
    %convert_element_type3A_102 = arith.extf %get3A_101 : vector<1x768xbf16> to vector<1x768xf32>
    %add3A_103 = vector.broadcast %convert_element_type3A_102 : vector<1x768xf32> to vector<128x768xf32>
    %add3A_104 = arith.addf %concatenate3A, %add3A_103 : vector<128x768xf32>
    %get3A_105 = arith.constant 0 : index
    %get3A_106 = arith.constant 0 : index
    %get3A_107 = vector.load %arg2[%get3A_105, %get3A_106] : memref<128x16xf32, #tpu.memory_space<vmem>>, vector<128x16xf32>
    %iota3A = tpu.iota {dimensions = array<i32: 1>} : vector<128x16xi32>
    %eq3A_108 = vector.broadcast %arg0 : i32 to vector<128x16xi32>
    %eq3A_109 = arith.cmpi eq, %iota3A, %eq3A_108 : vector<128x16xi32>
    %jit3A_110 = arith.constant 0.000000e+00 : f32
    %broadcast_in_dim3A = vector.broadcast %jit3A_110 : f32 to vector<128x16xf32>
    %select_n3A = arith.select %eq3A_109, %get3A_107, %broadcast_in_dim3A : vector<128x16xi1>, vector<128x16xf32>
    %reduce_sum3A = arith.constant dense<0.000000e+00> : vector<128xf32>
    %reduce_sum3A_111 = vector.multi_reduction <add>, %select_n3A, %reduce_sum3A [1] : vector<128x16xf32> to vector<128xf32>
    %broadcast_in_dim3A_112 = vector.shape_cast %reduce_sum3A_111 : vector<128xf32> to vector<128x1xf32>
    %get3A_113 = arith.constant 0 : index
    %get3A_114 = arith.constant 0 : index
    %get3A_115 = vector.load %arg14[%get3A_113, %get3A_114] : memref<128x768xf32, #tpu.memory_space<vmem>>, vector<128x768xf32>
    %mul3A_116 = vector.broadcast %broadcast_in_dim3A_112 : vector<128x1xf32> to vector<128x768xf32>
    %mul3A_117 = arith.mulf %add3A_104, %mul3A_116 : vector<128x768xf32>
    %add3A_118 = arith.addf %get3A_115, %mul3A_117 : vector<128x768xf32>
    %swap3A_119 = arith.constant 0 : index
    %swap3A_120 = arith.constant 0 : index
    %swap3A_121 = vector.load %arg14[%swap3A_119, %swap3A_120] : memref<128x768xf32, #tpu.memory_space<vmem>>, vector<128x768xf32>
    tpu.vector_store %arg14[%swap3A_119, %swap3A_120], %add3A_118 {strides = array<i32>} : memref<128x768xf32, #tpu.memory_space<vmem>>, vector<128x768xf32>,
    %eq3A_122 = arith.constant 15 : i32
    %eq3A_123 = arith.cmpi eq, %arg0, %eq3A_122 : i32
    %convert_element_type3A_124 = arith.extui %eq3A_123 : i1 to i32
    %cond3A_125 = arith.constant 0 : i32
    %cond3A_126 = arith.cmpi ne, %convert_element_type3A_124, %cond3A_125 : i32
    scf.if %cond3A_126 {
      %get3A_127 = arith.constant 0 : index
      %get3A_128 = arith.constant 0 : index
      %get3A_129 = vector.load %arg3[%get3A_127, %get3A_128] : memref<128x768xf32, #tpu.memory_space<vmem>>, vector<128x768xf32>
      %bitcast_convert_type3A = tpu.bitcast %get3A_129 : vector<128x768xf32> -> vector<128x768xi32>
      %shift_right_logical3A = arith.constant 16 : i32
      %shift_right_logical3A_130 = vector.broadcast %shift_right_logical3A : i32 to vector<128x768xi32>
      %shift_right_logical3A_131 = arith.shrui %bitcast_convert_type3A, %shift_right_logical3A_130 : vector<128x768xi32>
      %and3A = arith.constant 1 : i32
      %and3A_132 = vector.broadcast %and3A : i32 to vector<128x768xi32>
      %and3A_133 = arith.andi %shift_right_logical3A_131, %and3A_132 : vector<128x768xi32>
      %add3A_134 = arith.constant 32767 : i32
      %add3A_135 = vector.broadcast %add3A_134 : i32 to vector<128x768xi32>
      %add3A_136 = arith.addi %bitcast_convert_type3A, %add3A_135 : vector<128x768xi32>
      %add3A_137 = arith.addi %add3A_136, %and3A_133 : vector<128x768xi32>
      %and3A_138 = arith.constant -65536 : i32
      %and3A_139 = vector.broadcast %and3A_138 : i32 to vector<128x768xi32>
      %and3A_140 = arith.andi %add3A_137, %and3A_139 : vector<128x768xi32>
      %bitcast_convert_type3A_141 = tpu.bitcast %and3A_140 : vector<128x768xi32> -> vector<128x768xf32>
      %get3A_142 = arith.constant 0 : index
      %get3A_143 = arith.constant 0 : index
      %get3A_144 = vector.load %arg14[%get3A_142, %get3A_143] : memref<128x768xf32, #tpu.memory_space<vmem>>, vector<128x768xf32>
      %bitcast_convert_type3A_145 = tpu.bitcast %get3A_144 : vector<128x768xf32> -> vector<128x768xi32>
      %shift_right_logical3A_146 = arith.constant 16 : i32
      %shift_right_logical3A_147 = vector.broadcast %shift_right_logical3A_146 : i32 to vector<128x768xi32>
      %shift_right_logical3A_148 = arith.shrui %bitcast_convert_type3A_145, %shift_right_logical3A_147 : vector<128x768xi32>
      %and3A_149 = arith.constant 1 : i32
      %and3A_150 = vector.broadcast %and3A_149 : i32 to vector<128x768xi32>
      %and3A_151 = arith.andi %shift_right_logical3A_148, %and3A_150 : vector<128x768xi32>
      %add3A_152 = arith.constant 32767 : i32
      %add3A_153 = vector.broadcast %add3A_152 : i32 to vector<128x768xi32>
      %add3A_154 = arith.addi %bitcast_convert_type3A_145, %add3A_153 : vector<128x768xi32>
      %add3A_155 = arith.addi %add3A_154, %and3A_151 : vector<128x768xi32>
      %and3A_156 = arith.constant -65536 : i32
      %and3A_157 = vector.broadcast %and3A_156 : i32 to vector<128x768xi32>
      %and3A_158 = arith.andi %add3A_155, %and3A_157 : vector<128x768xi32>
      %bitcast_convert_type3A_159 = tpu.bitcast %and3A_158 : vector<128x768xi32> -> vector<128x768xf32>
      %add3A_160 = arith.addf %bitcast_convert_type3A_141, %bitcast_convert_type3A_159 : vector<128x768xf32>
      %convert_element_type3A_161 = arith.truncf %add3A_160 : vector<128x768xf32> to vector<128x768xbf16>
      %swap3A_162 = arith.constant 0 : index
      %swap3A_163 = arith.constant 0 : index
      %swap3A_164 = vector.load %arg13[%swap3A_162, %swap3A_163] : memref<128x768xbf16, #tpu.memory_space<vmem>>, vector<128x768xbf16>
      tpu.vector_store %arg13[%swap3A_162, %swap3A_163], %convert_element_type3A_161 {strides = array<i32>} : memref<128x768xbf16, #tpu.memory_space<vmem>>, vector<128x768xbf16>,
    } else {
    }
    return
  }
  func.func @transform_0(%arg0: i32) -> (i32, i32) {
    %c0_i32 = arith.constant 0 : i32
    %c0_i32_0 = arith.constant 0 : i32
    %c0_i32_1 = arith.constant 0 : i32
    return %c0_i32, %c0_i32_0 : i32, i32
  }
  func.func @transform_1(%arg0: i32) -> (i32, i32) {
    %c0_i32 = arith.constant 0 : i32
    %c0_i32_0 = arith.constant 0 : i32
    %c0_i32_1 = arith.constant 0 : i32
    return %c0_i32, %c0_i32_0 : i32, i32
  }
  func.func @transform_2(%arg0: i32) -> (i32, i32) {
    %c0_i32 = arith.constant 0 : i32
    %c0_i32_0 = arith.constant 0 : i32
    %c0_i32_1 = arith.constant 0 : i32
    return %c0_i32, %c0_i32_0 : i32, i32
  }
  func.func @transform_3(%arg0: i32) -> (i32, i32, i32) {
    %c0_i32 = arith.constant 0 : i32
    %c0_i32_0 = arith.constant 0 : i32
    %c0_i32_1 = arith.constant 0 : i32
    return %arg0, %c0_i32, %c0_i32_0 : i32, i32, i32
  }
  func.func @transform_4(%arg0: i32) -> (i32, i32, i32) {
    %c1_i32 = arith.constant 1 : i32
    %c0_i32 = arith.constant 0 : i32
    %c0_i32_0 = arith.constant 0 : i32
    return %arg0, %c1_i32, %c0_i32 : i32, i32, i32
  }
  func.func @transform_5(%arg0: i32) -> (i32, i32, i32) {
    %c2_i32 = arith.constant 2 : i32
    %c0_i32 = arith.constant 0 : i32
    %c0_i32_0 = arith.constant 0 : i32
    return %arg0, %c2_i32, %c0_i32 : i32, i32, i32
  }
  func.func @transform_6(%arg0: i32) -> (i32, i32, i32) {
    %c3_i32 = arith.constant 3 : i32
    %c0_i32 = arith.constant 0 : i32
    %c0_i32_0 = arith.constant 0 : i32
    return %arg0, %c3_i32, %c0_i32 : i32, i32, i32
  }
  func.func @transform_7(%arg0: i32) -> (i32, i32, i32) {
    %c0_i32 = arith.constant 0 : i32
    %c0_i32_0 = arith.constant 0 : i32
    %c0_i32_1 = arith.constant 0 : i32
    return %arg0, %c0_i32, %c0_i32_0 : i32, i32, i32
  }
  func.func @transform_8(%arg0: i32) -> (i32, i32, i32) {
    %c0_i32 = arith.constant 0 : i32
    %c0_i32_0 = arith.constant 0 : i32
    %c0_i32_1 = arith.constant 0 : i32
    return %arg0, %c0_i32, %c0_i32_0 : i32, i32, i32
  }
  func.func @transform_9(%arg0: i32) -> (i32, i32, i32) {
    %mul3A = arith.constant 2 : i32
    %mul3A_0 = arith.muli %mul3A, %arg0 : i32
    %c0_i32 = arith.constant 0 : i32
    %c0_i32_1 = arith.constant 0 : i32
    %c0_i32_2 = arith.constant 0 : i32
    return %mul3A_0, %c0_i32, %c0_i32_1 : i32, i32, i32
  }
  func.func @transform_10(%arg0: i32) -> (i32, i32, i32) {
    %mul3A = arith.constant 2 : i32
    %mul3A_0 = arith.muli %mul3A, %arg0 : i32
    %add3A = arith.constant 1 : i32
    %add3A_1 = arith.addi %mul3A_0, %add3A : i32
    %c0_i32 = arith.constant 0 : i32
    %c0_i32_2 = arith.constant 0 : i32
    %c0_i32_3 = arith.constant 0 : i32
    return %add3A_1, %c0_i32, %c0_i32_2 : i32, i32, i32
  }
  func.func @transform_11(%arg0: i32) -> (i32, i32, i32) {
    %c0_i32 = arith.constant 0 : i32
    %c0_i32_0 = arith.constant 0 : i32
    %c0_i32_1 = arith.constant 0 : i32
    return %arg0, %c0_i32, %c0_i32_0 : i32, i32, i32
  }
  func.func @transform_12(%arg0: i32) -> (i32, i32) {
    %c0_i32 = arith.constant 0 : i32
    %c0_i32_0 = arith.constant 0 : i32
    %c0_i32_1 = arith.constant 0 : i32
    return %c0_i32, %c0_i32_0 : i32, i32
  }
}

</mosaic_0001>

<sc_bundles>
// kernel: kernel.5.cloned.1.call-start
scs
__scs_entry_jumppad:
0x0: {  	(pc) =	sbr.rel $0x88, $3  }
0x1: {  	(tag) =	ssettag $0x0;
	lr =	simm.s32 $0x1  }
0x2: {  	[smem:$0x3F99] =	sst lr;
	_ =	strace $0xD0000000  }
0x3: {  	_ = 	snop  }
0x4: {  	_ = 	snop  }
0x5: {  	_ = 	snop  }
0x6: {  	_ = 	snop  }
0x7: {  	_ = 	snop  }
__scs_overlays_trampoline_lowered:
0x8: {  	[smem:$0x3FA8] =	sst s0  }
0x9: {  	[smem:$0x3FA9] =	sst s1  }
0xa: {  	[smem:$0x3FAA] =	sst s2  }
0xb: {  	[smem:$0x3FAB] =	sst s3  }
0xc: {  	[smem:$0x3FAC] =	sst s4  }
0xd: {  	[smem:$0x3FAD] =	sst s5  }
0xe: {  	[smem:$0x3FAE] =	sst s6  }
0xf: {  	[smem:$0x3FAF] =	sst s7  }
0x10: {  	[smem:$0x3FB0] =	sst s8  }
0x11: {  	[smem:$0x3FB1] =	sst s9;
	s0 =	simm.s32 @!p0 $0x0  }
0x12: {  	s1 =	sld [smem:$0x3F97];
	s0 =	simm.s32 @p0 $0x1  }
0x13: {  	[smem:$0x3FB2] =	sst s0;
	s0 =	simm.s32 @!p1 $0x0  }
0x14: {  	s2 =	sld [smem:$0x3F96];
	s0 =	simm.s32 @p1 $0x1  }
0x15: {  	[smem:$0x3FB3] =	sst s0;
	s0 =	simm.s32 @!p2 $0x0  }
0x16: {  	s3 =	sld [smem:$0x3FDB];
	s0 =	simm.s32 @p2 $0x1  }
0x17: {  	s4 =	simm.s32 $0x1BF5;
	[smem:$0x3FB5] =	sst s0  }
0x18: {  	s0 =	sld [smem:$0x3F98];
	_ =	swait.ge [sflag:s4], $0x0  }
0x19: {  	s7 =	sld [smem:$0x3F99]  }
0x1a: {  	s8 =	sadd.s32 $0xFFFFE003, lr  }
0x1b: {  	s9 =	sadd.s32 $0xFFFFFEF7, lr;
	s5 =	simm.s32 $0xFFFFFFFF;
	p2 =	slt.u32 s8, $0xFFFFF086  }
0x1c: {  	p1 =	slt.u32 s9, $0xF7A;
	s5 =	simm.s32 @!p2 $0x0  }
0x1d: {  	s5 =	simm.s32 @p1 $0x1;
	p0 =	seq.s32 s7, s2  }
0x1e: {  	s7 =	smul.u32 @!p0 $0xF7A, s2;
	p2 =	seq.s32 @!p0 s5, $0x0  }
0x1f: {  	s9 =	smul.u32 $0xF7A, s1;
	s8 =	simm.s32 @!p0 $0x1BF5;
	p2 =	por !p2, p0  }
0x20: {  	[sflag:s8] =	ssyncset.s32 @!p0 $0xFFFFF086;
	s6 =	sadd.s32 @!p0 s3, s7;
	s7 =	simm.s32 @!p0 $0x108  }
0x21: {  	s3 =	sadd.s32 s3, s9;
	s6 =	sadd.s32 @!p0 $0x88, s6;
	s7 =	simm.s32 @p2 $0x1082  }
0x22: {  	[simem:s7], [sflag:s8] =	dma.local @!p0 [hbm:s6], $0xF7A  }
0x23: {  	s9 =	sor.u32 $0xD0000000, s2;
	s6 =	simm.s32 $0x108;
	_ =	swait.ge @!p0 [sflag:s8], $0x0  }
0x24: {  	s3 =	sadd.s32 $0x88, s3;
	s6 =	simm.s32 @!p1 $0x1082;
	[sflag:s4] =	ssyncset.s32 $0xFFFFF086  }
0x25: {  	[simem:s6], [sflag:s4] =	dma.local [hbm:s3], $0xF7A  }
0x26: {  	[smem:$0x3F99] =	sst s1;
	(tag) =	ssettag s2;
	_ =	strace s9  }
0x27: {  	s1 =	sld [smem:$0x3FA9]  }
0x28: {  	s2 =	sld [smem:$0x3FAA]  }
0x29: {  	s4 =	sld [smem:$0x3FAC]  }
0x2a: {  	p0 =	seq.s32 s5, $0x0;
	s5 =	sld [smem:$0x3FAD]  }
0x2b: {  	s6 =	sld [smem:$0x3FAE]  }
0x2c: {  	s7 =	sld [smem:$0x3FAF]  }
0x2d: {  	s3 =	simm.s32 $0x108;
	s8 =	sld [smem:$0x3FB0]  }
0x2e: {  	s3 =	simm.s32 @!p0 $0x1082;
	s9 =	sld [smem:$0x3FB1]  }
0x2f: {  	lr =	sadd.s32 s0, s3;
	s0 =	sld [smem:$0x3FA8]  }
0x30: {  	s3 =	sld [smem:$0x3FAB]  }
0x31: {  	[smem:$0x3FB4] =	sst s10  }
0x32: {  	s10 =	sld [smem:$0x3FB2];
	_ =	sdelay $0x3  }
0x33: {  	p0 =	seq.s32 s10, $0x1;
	s10 =	sld [smem:$0x3FB4];
	_ =	sdelay $0x3  }
0x34: {  	[smem:$0x3FB4] =	sst s10  }
0x35: {  	s10 =	sld [smem:$0x3FB3];
	_ =	sdelay $0x3  }
0x36: {  	p1 =	seq.s32 s10, $0x1;
	s10 =	sld [smem:$0x3FB4];
	_ =	sdelay $0x3  }
0x37: {  	[smem:$0x3FB4] =	sst s10  }
0x38: {  	s10 =	sld [smem:$0x3FB5]  }
0x39: {  	_ = 	snop;
	(pc) =	sbr.ind lr, $3  }
0x3a: {  	_ = 	snop  }
0x3b: {  	_ = 	snop  }
0x3c: {  	p2 =	seq.s32 s10, $0x1;
	s10 =	sld [smem:$0x3FB4]  }
0x3d: {  	_ =	shalt  }
0x3e: {  	_ =	shalt  }
0x3f: {  	_ =	shalt  }
0x40: {  	_ =	shalt  }
0x41: {  	_ =	shalt  }
0x42: {  	_ =	shalt  }
0x43: {  	_ =	shalt  }
0x44: {  	_ =	shalt  }
0x45: {  	_ =	shalt  }
0x46: {  	_ =	shalt  }
0x47: {  	_ =	shalt  }
0x48: {  	_ =	shalt  }
0x49: {  	_ =	shalt  }
0x4a: {  	_ =	shalt  }
0x4b: {  	_ =	shalt  }
0x4c: {  	_ =	shalt  }
0x4d: {  	_ =	shalt  }
0x4e: {  	_ =	shalt  }
0x4f: {  	_ =	shalt  }
0x50: {  	_ =	shalt  }
0x51: {  	_ =	shalt  }
0x52: {  	_ =	shalt  }
0x53: {  	_ =	shalt  }
0x54: {  	_ =	shalt  }
0x55: {  	_ =	shalt  }
0x56: {  	_ =	shalt  }
0x57: {  	_ =	shalt  }
0x58: {  	_ =	shalt  }
0x59: {  	_ =	shalt  }
0x5a: {  	_ =	shalt  }
0x5b: {  	_ =	shalt  }
0x5c: {  	_ =	shalt  }
0x5d: {  	_ =	shalt  }
0x5e: {  	_ =	shalt  }
0x5f: {  	_ =	shalt  }
0x60: {  	_ =	shalt  }
0x61: {  	_ =	shalt  }
0x62: {  	_ =	shalt  }
0x63: {  	_ =	shalt  }
0x64: {  	_ =	shalt  }
0x65: {  	_ =	shalt  }
0x66: {  	_ =	shalt  }
0x67: {  	_ =	shalt  }
0x68: {  	_ =	shalt  }
0x69: {  	_ =	shalt  }
0x6a: {  	_ =	shalt  }
0x6b: {  	_ =	shalt  }
0x6c: {  	_ =	shalt  }
0x6d: {  	_ =	shalt  }
0x6e: {  	_ =	shalt  }
0x6f: {  	_ =	shalt  }
0x70: {  	_ =	shalt  }
0x71: {  	_ =	shalt  }
0x72: {  	_ =	shalt  }
0x73: {  	_ =	shalt  }
0x74: {  	_ =	shalt  }
0x75: {  	_ =	shalt  }
0x76: {  	_ =	shalt  }
0x77: {  	_ =	shalt  }
0x78: {  	_ =	shalt  }
0x79: {  	_ =	shalt  }
0x7a: {  	_ =	shalt  }
0x7b: {  	_ =	shalt  }
0x7c: {  	_ =	shalt  }
0x7d: {  	_ =	shalt  }
0x7e: {  	_ =	shalt  }
0x7f: {  	_ =	shalt  }
0x80: {  	_ =	shalt  }
0x81: {  	_ =	shalt  }
0x82: {  	_ =	shalt  }
0x83: {  	_ =	shalt  }
0x84: {  	_ =	shalt  }
0x85: {  	_ =	shalt  }
0x86: {  	_ =	shalt  }
0x87: {  	_ =	shalt  }
.Lfunc_end0:
.L_simem_size_0:
called_computation_lowered:
.L_overlay_start_0:
0x88: {  	s2 =	sld [smem:$0x3FD9]  }
0x89: {  	s3 =	sld [smem:$0x3FFE];
	_ =	sdelay $0x1  }
0x8a: {  	s1 =	srdreg.scid  }
0x8b: {  	s0 =	sand.u32 $0x1, s1  }
0x8c: {  	s17 =	sshll.u32 s0, $0xA;
	s2 =	sadd.s32 s3, s2  }
0x8d: {  	s2 =	sadd.s32 s2, s17  }
0x8e: {  	[smem:$0x3FC0] =	sst s2  }
0x8f: {  	_ = 	snop  }
0x90: {  	s2 =	sld [smem:$0x3FD0];
	(tm) =	ssettm $0x1  }
0x91: {  	s18 =	sld [smem:$0x3FFB];
	_ =	sdelay $0x3  }
0x92: {  	_ =	strace s18  }
0x93: {  	s3 =	sld [smem:$0x3FFC];
	_ =	sdelay $0x3  }
0x94: {  	_ =	strace s3  }
0x95: {  	s3 =	sld [smem:$0x3FFD];
	_ =	sdelay $0x3  }
0x96: {  	_ =	strace s3  }
0x97: {  	_ =	strace $0x8FFFFFFF  }
0x98: {  	s19 =	sld [smem:$0x3FDB];
	_ =	sdelay $0x1  }
0x99: {  	s4 =	simm.s32 $_scs_section_size  }
0x9a: {  	s5 =	simm.s32 $_size__tile_overlayer_lowered;
	s6 =	simm.s32 $_tile_overlayer_lowered  }
0x9b: {  	s22 =	simm.s32 $0x1BFF;
	s21 =	sshll.u32 s6, $0x1;
	s3 =	sadd.s32 s4, s19  }
0x9c: {  	s7 =	simm.s32 $0x0;
	s20 =	sshll.u32 s5, $0x1;
	s5 =	sadd.s32 s21, s3  }
0x9d: {  	[timem:s7], [sflag:s22] =	dma.local [hbm:s5], s20  }
0x9e: {  	_ =	swait.ge [sflag:s22], s20  }
0x9f: {  	s4 =	ssub.s32 $0x0, s20;
	[sflag:s22] =	ssyncset.done $0x0  }
0xa0: {  	[sflag:s22] =	ssyncadd.s32 s4;
	_ =	sdelay $0x1  }
0xa1: {  	s23 =	simm.s32 $0x1B8B  }
0xa2: {  	_ =	swait.ge [sflag:s23], $0x1  }
0xa3: {  	[sflag:s23] =	ssyncset.done $0x0  }
0xa4: {  	s25 =	simm.s32 $0x1B8E;
	s24 =	sld [smem:$0x3FFE];
	[sflag:s23] =	ssyncadd.s32 $0xFFFFFFFF  }
0xa5: {  	s26 =	simm.s32 $execute0_lowered;
	[smem:$0x3FD2] =	sst s25  }
0xa6: {  	s5 =	sshll.u32 s26, $0x1;
	_ =	strace $0x80000046;
	[dreg:$0x1] =	wrdreg $0xFFFFFFFF  }
0xa7: {  	s28 =	simm.s32 $_size_execute0_lowered;
	s3 =	sadd.s32 s3, s5;
	[dreg:$0x0] =	wrdreg $0x0  }
0xa8: {  	s5 =	sshll.u32 s28, $0x1;
	[dreg:$0x2] =	wrdreg s3  }
0xa9: {  	[dreg:$0x3] =	wrdreg s5  }
0xaa: {  	[dreg:$0x4] =	wrdreg $0xC0  }
0xab: {  	_ =	task [dreg:s7], $0x5FFFF  }
0xac: {  	[dreg:$0x1] =	wrdreg $0xFFFFFFFF  }
0xad: {  	[dreg:$0x0] =	wrdreg $0x60  }
0xae: {  	[dreg:$0x2] =	wrdreg s2  }
0xaf: {  	[dreg:$0x3] =	wrdreg s24  }
0xb0: {  	[dreg:$0x4] =	wrdreg $0x9  }
0xb1: {  	_ =	task.clear_ibuf [dreg:s7], $0x5FFFF;
	_ =	strace $0x90000046  }
0xb2: {  	s29 =	simm.s32 $0x9;
	_ =	strace $0x80000048  }
0xb3: {  	_ =	swait.ge [sflag:s29], $0x1  }
0xb4: {  	[sflag:s29] =	ssyncadd.s32 $0xFFFFFFFF  }
0xb5: {  	_ =	strace $0x90000048  }
0xb6: {  	_ =	sfence  }
0xb7: {  	s30 =	sld [smem:$0x0];
	_ =	sdelay $0x2  }
0xb8: {  	s31 =	sshll.u32 s1, $0xD;
	s1 =	sshrl.u32 s1, $0x2  }
0xb9: {  	s3 =	sand.u32 $0x4000, s31;
	s1 =	sadd.s32 s1, s30  }
0xba: {  	s0 =	sor.u32 s3, s0;
	s1 =	sshll.u32 s1, $0x11  }
0xbb: {  	s0 =	sor.u32 s1, s0  }
0xbc: {  	s0 =	sadd.s32 $0x8F2B, s0  }
0xbd: {  	[sflag:s0] =	ssyncadd.remote.s32 $0x1  }
0xbe: {  	_ =	sfence.sel $0xFFFF  }
0xbf: {  	[dreg:$0x0] =	wrdreg $0xFFFFFFFF;
	(pc) =	sbr.abs _section_cstart, $3  }
0xc0: {  	[dreg:$0x1] =	wrdreg $0xFFFFFFFF  }
0xc1: {  	_ =	task.clear_ibuf [dreg:s7], $0x2FFFF;
	_ =	strace $0x9FFFFFFF  }
0xc2: {  	(tm) =	ssettm $0x7FFFFFFF  }
0xc3: {  	_ =	shalt  }
tec
execute0_lowered:
.L_overlay_start_1:
0x0: {  	(tag) =	ssettag $0x1  }
0x1: {  	s3 =	rddreg [dreg:$0x0]  }
0x2: {  	s5 =	rddreg [dreg:$0x1];
	s2 =	srdreg.scid  }
0x3: {  	s0 =	rddreg [dreg:$0x2];
	s1 =	stileid.u32;
	s7 =	sand.u32 $0x1, s2  }
0x4: {  	s2 =	simm.s32 $0x0;
	s4 =	sshll.u32 s1, $0x7;
	s6 =	sshll.u32 s7, $0x6  }
0x5: {  	[smem:$0x7FF] =	sst s2;
	s6 =	sor.u32 s6, s4  }
0x6: {  	v0 =	vimm.s32 $0xEFCDAB89;
	_ =	strace $0x80000047;
	s4 =	sadd.s32 s3, s6;
	s3 =	simm.s32 $0x1  }
0x7: {  	v1 =	vimm.s32 $0x67452301;
	[tilespmem:s2], [sflag:$0x1] =	stream.linear.gather [hbm4b:s4+s2], $0x200, $0x38;
	[tilespmem:$0x400] =	vst v63  }
0x8: {  	v2 =	vimm.s32 $0xDCFE98BA;
	v3 =	vimm.s32 $0x54761032;
	_ =	swait.ge [sflag:s3], $0x200  }
0x9: {  	v4 =	vimm.s32 $0xBA98FEDC;
	v5 =	vimm.s32 $0x32107654;
	v0 =	vunpack.c.l.s4.s8 v0;
	[sflag:s3] =	ssyncset.done $0x0  }
0xa: {  	v1 =	vunpack.c.l.s4.s8 v1;
	v2 =	vunpack.c.l.s4.s8 v2;
	v3 =	vunpack.c.l.s4.s8 v3;
	[sflag:s3] =	ssyncadd.s32 $0xFFFFFE00  }
0xb: {  	v4 =	vunpack.c.l.s4.s8 v4;
	v5 =	vunpack.c.l.s4.s8 v5;
	v0 =	vunpack.c.0.s8.s32 v0;
	v6 =	vld [tilespmem:$0x180]  }
0xc: {  	v1 =	vunpack.c.0.s8.s32 v1;
	v2 =	vunpack.c.0.s8.s32 v2;
	v3 =	vunpack.c.0.s8.s32 v3;
	v7 =	vld [tilespmem:$0x100]  }
0xd: {  	v4 =	vunpack.c.0.s8.s32 v4;
	v5 =	vunpack.c.0.s8.s32 v5;
	v8 =	vld [tilespmem:$0x80]  }
0xe: {  	v0 =	vcombine.low v1, v0;
	v1 =	vcombine.low v3, v2;
	v2 =	vimm.s32 $0xFEDCBA98;
	v9 =	vld [tilespmem:$0x0]  }
0xf: {  	v3 =	vcombine.low v5, v4;
	v4 =	vimm.s32 $0x76543210;
	v5 =	vunpack.c.l.s4.s8 v2  }
0x10: {  	v4 =	vunpack.c.l.s4.s8 v4;
	v0 =	vand.u32 $0xF, v0;
	v1 =	vand.u32 $0xF, v1  }
0x11: {  	v2 =	vand.u32 $0xF, v3;
	v3 =	vunpack.c.0.s8.s32 v5;
	v5 =	vperm.xlane v7, v0  }
0x12: {  	v4 =	vunpack.c.0.s8.s32 v4;
	v10 =	vperm.xlane v6, v0;
	v11 =	vperm.xlane v8, v0  }
0x13: {  	v3 =	vand.u32 $0xF, v3;
	v12 =	vperm.xlane v9, v0;
	v5 =	vmax.f32 v7, v5  }
0x14: {  	v10 =	vmax.f32 v6, v10;
	v11 =	vmax.f32 v8, v11;
	v13 =	vperm.xlane v5, v1  }
0x15: {  	v12 =	vmax.f32 v9, v12;
	v14 =	vperm.xlane v10, v1;
	v15 =	vperm.xlane v11, v1  }
0x16: {  	v3 =	vcombine.low v3, v4;
	v4 =	vperm.xlane v12, v1;
	v5 =	vmax.f32 v5, v13  }
0x17: {  	v10 =	vmax.f32 v10, v14;
	v11 =	vmax.f32 v11, v15;
	v13 =	vperm.xlane v5, v2  }
0x18: {  	v4 =	vmax.f32 v12, v4;
	v14 =	vperm.xlane v10, v2;
	v20 =	vperm.xlane v11, v2  }
0x19: {  	v21 =	vperm.xlane v4, v2;
	v5 =	vmax.f32 v5, v13  }
0x1a: {  	v10 =	vmax.f32 v10, v14;
	v11 =	vmax.f32 v11, v20;
	v22 =	vperm.xlane v5, v3  }
0x1b: {  	v24 =	vmax.f32 v4, v21;
	v23 =	vperm.xlane v10, v3;
	v25 =	vperm.xlane v11, v3  }
0x1c: {  	v4 =	vlaneseq.u32;
	v16 =	vperm.xlane v24, v3;
	v5 =	vmax.f32 v5, v22  }
0x1d: {  	v10 =	vmax.f32 v10, v23;
	v11 =	vmax.f32 v11, v25;
	vm0 =	veq.f32 v7, v5  }
0x1e: {  	v26 =	vmax.f32 v24, v16;
	vm1 =	veq.f32 v8, v11;
	v27 =	vnsel vm0, $0x10, v4  }
0x1f: {  	vm0 =	veq.f32 v9, v26;
	v28 =	vnsel vm1, $0x10, v4;
	v29 =	vperm.xlane v27, v0  }
0x20: {  	vm1 =	veq.f32 v6, v10;
	v30 =	vnsel vm0, $0x10, v4;
	v17 =	vperm.xlane v28, v0  }
0x21: {  	v18 =	vnsel vm1, $0x10, v4;
	v19 =	vperm.xlane v30, v0;
	vm0 =	vlt.s32 v27, v29  }
0x22: {  	v20 =	vperm.xlane v18, v0;
	vm1 =	vlt.s32 v28, v17;
	v13 =	vsel vm0, v27, v29  }
0x23: {  	vm0 =	vlt.s32 v30, v19;
	v14 =	vsel vm1, v28, v17;
	v15 =	vperm.xlane v13, v1  }
0x24: {  	vm1 =	vlt.s32 v18, v20;
	v16 =	vsel vm0, v30, v19;
	v17 =	vperm.xlane v14, v1  }
0x25: {  	v18 =	vsel vm1, v18, v20;
	v19 =	vperm.xlane v16, v1;
	vm0 =	vlt.s32 v13, v15  }
0x26: {  	v20 =	vperm.xlane v18, v1;
	vm1 =	vlt.s32 v14, v17;
	v13 =	vsel vm0, v13, v15  }
0x27: {  	vm0 =	vlt.s32 v16, v19;
	v14 =	vsel vm1, v14, v17;
	v15 =	vperm.xlane v13, v2  }
0x28: {  	v16 =	vsel vm0, v16, v19;
	v17 =	vperm.xlane v14, v2;
	vm0 =	vlt.s32 v18, v20  }
0x29: {  	v19 =	vperm.xlane v16, v2;
	v18 =	vsel vm0, v18, v20  }
0x2a: {  	vm1 =	vlt.s32 v13, v15;
	vm0 =	vlt.s32 v14, v17;
	v31 =	vperm.xlane v18, v2  }
0x2b: {  	v13 =	vsel vm1, v13, v15;
	vm1 =	vlt.s32 v16, v19;
	v14 =	vsel vm0, v14, v17  }
0x2c: {  	v32 =	vperm.xlane v13, v3;
	v16 =	vsel vm1, v16, v19;
	v33 =	vperm.xlane v14, v3  }
0x2d: {  	vm0 =	vlt.s32 v18, v31;
	v34 =	vperm.xlane v16, v3  }
0x2e: {  	v15 =	vsel vm0, v18, v31;
	vm1 =	vlt.s32 v13, v32;
	vm0 =	vlt.s32 v14, v33  }
0x2f: {  	v35 =	vperm.xlane v15, v3;
	v13 =	vsel vm1, v13, v32;
	vm1 =	vlt.s32 v16, v34  }
0x30: {  	v14 =	vsel vm0, v14, v33;
	vm0 =	veq.s32 v13, v4;
	v36 =	vsel vm1, v16, v34  }
0x31: {  	vm1 =	veq.s32 v14, v4;
	vm2 =	vlt.s32 v15, v35;
	vm3 =	veq.s32 v36, v4  }
0x32: {  	v8 =	vsel vm1, $0xF149F2CA, v8;
	v37 =	vsel vm2, v15, v35;
	v7 =	vsel vm0, $0xF149F2CA, v7  }
0x33: {  	v9 =	vsel vm3, $0xF149F2CA, v9;
	v38 =	vperm.xlane v8, v0;
	vm2 =	veq.s32 v37, v4  }
0x34: {  	v40 =	vperm.xlane v7, v0;
	v39 =	vperm.xlane v9, v0;
	v6 =	vsel vm2, $0xF149F2CA, v6  }
0x35: {  	v14 =	vmax.f32 v8, v38;
	v41 =	vperm.xlane v6, v0  }
0x36: {  	v15 =	vmax.f32 v7, v40;
	v13 =	vmax.f32 v9, v39;
	v42 =	vperm.xlane v14, v1  }
0x37: {  	v44 =	vperm.xlane v15, v1;
	v43 =	vperm.xlane v13, v1;
	v16 =	vmax.f32 v6, v41  }
0x38: {  	v14 =	vmax.f32 v14, v42;
	v45 =	vperm.xlane v16, v1  }
0x39: {  	v15 =	vmax.f32 v15, v44;
	v13 =	vmax.f32 v13, v43;
	v46 =	vperm.xlane v14, v2  }
0x3a: {  	v48 =	vperm.xlane v15, v2;
	v47 =	vperm.xlane v13, v2;
	v16 =	vmax.f32 v16, v45  }
0x3b: {  	v14 =	vmax.f32 v14, v46;
	v49 =	vperm.xlane v16, v2  }
0x3c: {  	v15 =	vmax.f32 v15, v48;
	v13 =	vmax.f32 v13, v47;
	v50 =	vperm.xlane v14, v3  }
0x3d: {  	v17 =	vperm.xlane v15, v3;
	v20 =	vperm.xlane v13, v3;
	v16 =	vmax.f32 v16, v49  }
0x3e: {  	v14 =	vmax.f32 v14, v50;
	v18 =	vperm.xlane v16, v3  }
0x3f: {  	v15 =	vmax.f32 v15, v17;
	v13 =	vmax.f32 v13, v20;
	v11 =	vsub.f32 v14, v11  }
0x40: {  	v5 =	vsub.f32 v15, v5;
	v12 =	vsub.f32 v13, v26;
	v16 =	vmax.f32 v16, v18  }
0x41: {  	vm5 =	veq.f32 v7, v15;
	v11 =	vmul.f32 $1.442695020e+00, v11;
	v10 =	vsub.f32 v16, v10  }
0x42: {  	vm4 =	veq.f32 v9, v13;
	v5 =	vmul.f32 $1.442695020e+00, v5;
	v12 =	vmul.f32 $1.442695020e+00, v12  }
0x43: {  	v7 =	vnsel vm4, $0x10, v4;
	vm4 =	veq.f32 v6, v16;
	v9 =	vmul.f32 $1.442695020e+00, v10  }
0x44: {  	v6 =	vnsel vm5, $0x10, v4;
	v10 =	vperm.xlane v7, v0;
	(erf) = vpow2.f32 v12  }
0x45: {  	vm5 =	veq.f32 v8, v14;
	(erf) = vpow2.f32 v11;
	v11 =	vnsel vm4, $0x10, v4  }
0x46: {  	vm4 =	vlt.s32 v7, v10;
	(erf) = vpow2.f32 v9;
	v9 =	vperm.xlane v11, v0  }
0x47: {  	(erf) = vpow2.f32 v5;
	v5 =	vsel vm4, v7, v10;
	v7 =	vperm.xlane v6, v0  }
0x48: {  	v10 =	vnsel vm5, $0x10, v4;
	v8 =	vperm.xlane v5, v1  }
0x49: {  	vm4 =	vlt.s32 v11, v9;
	v51 =	vperm.xlane v10, v0;
	vm5 =	vlt.s32 v6, v7  }
0x4a: {  	v9 =	vsel vm4, v11, v9;
	vm4 =	vlt.s32 v5, v8;
	v6 =	vsel vm5, v6, v7  }
0x4b: {  	v7 =	vperm.xlane v9, v1;
	v5 =	vsel vm4, v5, v8;
	vm4 =	vlt.s32 v10, v51  }
0x4c: {  	v8 =	vperm.xlane v6, v1;
	v10 =	vsel vm4, v10, v51  }
0x4d: {  	v11 =	vperm.xlane v5, v2;
	vm4 =	vlt.s32 v9, v7;
	v52 =	vpop (erf);
	v53 =	vperm.xlane v10, v1  }
0x4e: {  	vm5 =	vlt.s32 v6, v8;
	v7 =	vsel vm4, v9, v7;
	v54 =	vadd.f32 $1.000000000e+00, v52;
	v55 =	vpop (erf)  }
0x4f: {  	vm4 =	vlt.s32 v5, v11;
	v6 =	vsel vm5, v6, v8;
	v9 =	vadd.f32 $1.000000000e+00, v55;
	v56 =	vpop (erf)  }
0x50: {  	v58 =	vperm.xlane v6, v2;
	v8 =	vadd.f32 $1.000000000e+00, v56;
	(erf) = vrcp.f32 v54;
	v57 =	vpop (erf)  }
0x51: {  	v59 =	vadd.f32 $1.000000000e+00, v57;
	(erf) = vrcp.f32 v9;
	v9 =	vperm.xlane v7, v2  }
0x52: {  	v5 =	vsel vm4, v5, v11;
	vm4 =	vlt.s32 v10, v53;
	(erf) = vrcp.f32 v8  }
0x53: {  	v10 =	vsel vm4, v10, v53;
	(erf) = vrcp.f32 v59;
	vm5 =	vlt.s32 v7, v9  }
0x54: {  	vm4 =	vlt.s32 v6, v58;
	v8 =	vperm.xlane v5, v3;
	v7 =	vsel vm5, v7, v9  }
0x55: {  	v6 =	vsel vm4, v6, v58;
	v9 =	vperm.xlane v10, v2;
	v11 =	vperm.xlane v7, v3  }
0x56: {  	s7 =	ssub.s32 $0x2, s7;
	v60 =	vperm.xlane v6, v3;
	vm4 =	vlt.s32 v5, v8  }
0x57: {  	s8 =	sshrl.u32 s7, $0x1;
	v8 =	vsel vm4, v5, v8;
	vm4 =	vlt.s32 v10, v9;
	vm5 =	vlt.s32 v7, v11  }
0x58: {  	s7 =	ssub.s32 s7, s8;
	v9 =	vsel vm4, v10, v9;
	vm4 =	vlt.s32 v6, v60;
	v7 =	vsel vm5, v7, v11  }
0x59: {  	s7 =	smax.u32 s7, $0x1;
	v10 =	vperm.xlane v9, v3;
	v11 =	vsel vm4, v6, v60;
	v5 =	vpop (erf)  }
0x5a: {  	p0 =	sne.s32 s7, $0x1;
	vm4 =	veq.s32 v7, v4;
	v6 =	vmul.f32 v5, v52;
	v5 =	vnsel vm3, $0x0, v5;
	v61 =	vpop (erf)  }
.Ltmp0:
0x5b: {  	vm3 =	veq.s32 v8, v4;
	vm5 =	vlt.s32 v9, v10;
	v8 =	vmul.f32 v61, v55;
	v7 =	vpop (erf);
	(pc) =	sbr.rel @!p0 .LBB2_2-.Ltmp0, $4  }
0x5c: {  	v9 =	vsel vm5, v9, v10;
	v10 =	vmul.f32 v7, v56;
	v62 =	vnsel vm2, $0x0, v7;
	v7 =	vpop (erf)  }
0x5d: {  	vm2 =	veq.s32 v9, v4;
	v9 =	vnsel vm1, $0x0, v61;
	v63 =	vmul.f32 v7, v57  }
0x5e: {  	s5 =	sadd.s32 s6, s5;
	vm1 =	veq.s32 v11, v4;
	v8 =	vnsel vm2, $0x0, v8;
	v11 =	vnsel vm4, $0x0, v10  }
0x5f: {  	s6 =	simm.s32 $0x200;
	s5 =	sadd.s32 $0x1000, s5;
	s7 =	sadd.s32 $0xFFFFFFFF, s7;
	v10 =	vadd.f32 v8, v9;
	v8 =	vnsel vm1, $0x0, v63;
	v9 =	vadd.f32 v11, v62  }
.LBB2_1:
0x60: {  	p0 =	sne.s32 s7, $0x1;
	s7 =	sadd.s32 $0xFFFFFFFF, s7;
	v6 =	vnsel vm3, $0x0, v6;
	v7 =	vnsel vm0, $0x0, v7  }
0x61: {  	v5 =	vadd.f32 v6, v5;
	[tilespmem:$0x280] =	vst v10  }
0x62: {  	v6 =	vadd.f32 v8, v7;
	[tilespmem:$0x380] =	vst v9  }
0x63: {  	[tilespmem:$0x200] =	vst v5  }
0x64: {  	[tilespmem:$0x300] =	vst v6  }
0x65: {  	[hbm4b:s5+s2] =	stream.linear.scatter [tilespmem:s6], [sflag:$0x1], $0x200, $0x38;
	[tilespmem:$0x400] =	vst v63  }
0x66: {  	_ =	swait.ge [sflag:s3], $0x200  }
0x67: {  	[sflag:s3] =	ssyncset.done $0x0  }
0x68: {  	[sflag:s3] =	ssyncadd.s32 $0xFFFFFE00  }
0x69: {  	[tilespmem:s2], [sflag:$0x1] =	stream.linear.gather [hbm4b:s4+s2], $0x200, $0x38;
	[tilespmem:$0x400] =	vst v63  }
0x6a: {  	_ =	swait.ge [sflag:s3], $0x200  }
0x6b: {  	[sflag:s3] =	ssyncset.done $0x0  }
0x6c: {  	[sflag:s3] =	ssyncadd.s32 $0xFFFFFE00  }
0x6d: {  	v6 =	vld [tilespmem:$0x180]  }
0x6e: {  	v8 =	vld [tilespmem:$0x100]  }
0x6f: {  	v11 =	vld [tilespmem:$0x80]  }
0x70: {  	v9 =	vld [tilespmem:$0x0];
	_ =	sdelay $0x1  }
0x71: {  	v5 =	vperm.xlane v6, v0  }
0x72: {  	v7 =	vperm.xlane v8, v0  }
0x73: {  	v10 =	vperm.xlane v11, v0;
	v5 =	vmax.f32 v6, v5  }
0x74: {  	v12 =	vperm.xlane v9, v0;
	v7 =	vmax.f32 v8, v7;
	v13 =	vperm.xlane v5, v1  }
0x75: {  	v10 =	vmax.f32 v11, v10;
	v14 =	vperm.xlane v7, v1  }
0x76: {  	v12 =	vmax.f32 v9, v12;
	v15 =	vperm.xlane v10, v1;
	v5 =	vmax.f32 v5, v13  }
0x77: {  	v13 =	vperm.xlane v12, v1;
	v7 =	vmax.f32 v7, v14;
	v14 =	vperm.xlane v5, v2  }
0x78: {  	v10 =	vmax.f32 v10, v15;
	v15 =	vperm.xlane v7, v2  }
0x79: {  	v12 =	vmax.f32 v12, v13;
	v13 =	vperm.xlane v10, v2;
	v5 =	vmax.f32 v5, v14  }
0x7a: {  	v14 =	vperm.xlane v12, v2;
	v7 =	vmax.f32 v7, v15;
	v15 =	vperm.xlane v5, v3  }
0x7b: {  	v10 =	vmax.f32 v10, v13;
	v13 =	vperm.xlane v7, v3  }
0x7c: {  	v12 =	vmax.f32 v12, v14;
	v14 =	vperm.xlane v10, v3;
	v5 =	vmax.f32 v5, v15  }
0x7d: {  	v15 =	vperm.xlane v12, v3;
	v7 =	vmax.f32 v7, v13;
	vm0 =	veq.f32 v6, v5  }
0x7e: {  	v10 =	vmax.f32 v10, v14;
	vm1 =	veq.f32 v8, v7;
	v13 =	vnsel vm0, $0x10, v4  }
0x7f: {  	v12 =	vmax.f32 v12, v15;
	vm0 =	veq.f32 v11, v10;
	v14 =	vnsel vm1, $0x10, v4  }
0x80: {  	vm1 =	veq.f32 v9, v12;
	v15 =	vnsel vm0, $0x10, v4;
	v16 =	vperm.xlane v14, v0  }
0x81: {  	v19 =	vperm.xlane v13, v0;
	v17 =	vnsel vm1, $0x10, v4;
	v18 =	vperm.xlane v15, v0  }
0x82: {  	v20 =	vperm.xlane v17, v0;
	vm0 =	vlt.s32 v14, v16  }
0x83: {  	vm1 =	vlt.s32 v15, v18;
	v14 =	vsel vm0, v14, v16;
	vm0 =	vlt.s32 v13, v19  }
0x84: {  	vm2 =	vlt.s32 v17, v20;
	v15 =	vsel vm1, v15, v18;
	v16 =	vperm.xlane v14, v1  }
0x85: {  	v13 =	vsel vm0, v13, v19;
	v17 =	vsel vm2, v17, v20;
	v18 =	vperm.xlane v15, v1  }
0x86: {  	v20 =	vperm.xlane v13, v1;
	v19 =	vperm.xlane v17, v1;
	vm0 =	vlt.s32 v14, v16  }
0x87: {  	vm1 =	vlt.s32 v15, v18;
	v14 =	vsel vm0, v14, v16  }
0x88: {  	vm0 =	vlt.s32 v17, v19;
	v15 =	vsel vm1, v15, v18;
	v16 =	vperm.xlane v14, v2  }
0x89: {  	v17 =	vsel vm0, v17, v19;
	v18 =	vperm.xlane v15, v2;
	vm0 =	vlt.s32 v13, v20  }
0x8a: {  	v19 =	vperm.xlane v17, v2;
	vm1 =	vlt.s32 v14, v16;
	v13 =	vsel vm0, v13, v20  }
0x8b: {  	vm0 =	vlt.s32 v15, v18;
	v14 =	vsel vm1, v14, v16;
	v16 =	vperm.xlane v13, v2  }
0x8c: {  	vm1 =	vlt.s32 v17, v19;
	v15 =	vsel vm0, v15, v18;
	v18 =	vperm.xlane v14, v3  }
0x8d: {  	v17 =	vsel vm1, v17, v19;
	v19 =	vperm.xlane v15, v3;
	vm0 =	vlt.s32 v13, v16  }
0x8e: {  	v20 =	vperm.xlane v17, v3;
	vm1 =	vlt.s32 v14, v18;
	v13 =	vsel vm0, v13, v16  }
0x8f: {  	vm0 =	vlt.s32 v15, v19;
	v14 =	vsel vm1, v14, v18;
	v16 =	vperm.xlane v13, v3  }
0x90: {  	vm1 =	vlt.s32 v17, v20;
	v15 =	vsel vm0, v15, v19;
	vm0 =	veq.s32 v14, v4  }
0x91: {  	v14 =	vsel vm1, v17, v20;
	vm1 =	veq.s32 v15, v4;
	vm2 =	vlt.s32 v13, v16  }
0x92: {  	vm3 =	veq.s32 v14, v4;
	v11 =	vsel vm1, $0xF149F2CA, v11;
	v13 =	vsel vm2, v13, v16  }
0x93: {  	v9 =	vsel vm3, $0xF149F2CA, v9;
	v14 =	vperm.xlane v11, v0;
	vm2 =	veq.s32 v13, v4  }
0x94: {  	v8 =	vsel vm0, $0xF149F2CA, v8;
	v13 =	vperm.xlane v9, v0;
	v6 =	vsel vm2, $0xF149F2CA, v6  }
0x95: {  	v15 =	vperm.xlane v8, v0;
	v14 =	vmax.f32 v11, v14;
	v16 =	vperm.xlane v6, v0  }
0x96: {  	v13 =	vmax.f32 v9, v13;
	v17 =	vperm.xlane v14, v1  }
0x97: {  	v15 =	vmax.f32 v8, v15;
	v18 =	vperm.xlane v13, v1;
	v16 =	vmax.f32 v6, v16  }
0x98: {  	v14 =	vmax.f32 v14, v17;
	v17 =	vperm.xlane v15, v1;
	v19 =	vperm.xlane v16, v1  }
0x99: {  	v13 =	vmax.f32 v13, v18;
	v18 =	vperm.xlane v14, v2  }
0x9a: {  	v20 =	vperm.xlane v13, v2;
	v15 =	vmax.f32 v15, v17;
	v16 =	vmax.f32 v16, v19  }
0x9b: {  	v14 =	vmax.f32 v14, v18;
	v17 =	vperm.xlane v15, v2;
	v18 =	vperm.xlane v16, v2  }
0x9c: {  	v13 =	vmax.f32 v13, v20;
	v19 =	vperm.xlane v14, v3  }
0x9d: {  	v20 =	vperm.xlane v13, v3;
	v15 =	vmax.f32 v15, v17;
	v16 =	vmax.f32 v16, v18  }
0x9e: {  	v14 =	vmax.f32 v14, v19;
	v17 =	vperm.xlane v15, v3;
	v18 =	vperm.xlane v16, v3  }
0x9f: {  	v13 =	vmax.f32 v13, v20;
	vm4 =	veq.f32 v11, v14;
	v10 =	vsub.f32 v14, v10  }
0xa0: {  	v11 =	vsub.f32 v13, v12;
	v12 =	vmax.f32 v15, v17;
	v14 =	vmax.f32 v16, v18  }
0xa1: {  	v10 =	vmul.f32 $1.442695020e+00, v10;
	v7 =	vsub.f32 v12, v7;
	v5 =	vsub.f32 v14, v5  }
0xa2: {  	vm5 =	veq.f32 v9, v13;
	vm6 =	veq.f32 v8, v12;
	v9 =	vmul.f32 $1.442695020e+00, v11  }
0xa3: {  	v8 =	vnsel vm5, $0x10, v4;
	v7 =	vmul.f32 $1.442695020e+00, v7;
	v5 =	vmul.f32 $1.442695020e+00, v5  }
0xa4: {  	vm5 =	veq.f32 v6, v14;
	v11 =	vperm.xlane v8, v0;
	(erf) = vpow2.f32 v9  }
0xa5: {  	v6 =	vnsel vm6, $0x10, v4;
	v9 =	vnsel vm5, $0x10, v4;
	(erf) = vpow2.f32 v10  }
0xa6: {  	vm5 =	vlt.s32 v8, v11;
	v10 =	vperm.xlane v9, v0;
	(erf) = vpow2.f32 v5  }
0xa7: {  	v5 =	vsel vm5, v8, v11;
	v8 =	vperm.xlane v6, v0;
	(erf) = vpow2.f32 v7  }
0xa8: {  	v11 =	vnsel vm4, $0x10, v4;
	v7 =	vperm.xlane v5, v1;
	vm4 =	vlt.s32 v9, v10  }
0xa9: {  	v12 =	vperm.xlane v11, v0;
	vm5 =	vlt.s32 v6, v8;
	v9 =	vsel vm4, v9, v10  }
0xaa: {  	vm4 =	vlt.s32 v5, v7;
	v6 =	vsel vm5, v6, v8;
	v8 =	vperm.xlane v9, v1  }
0xab: {  	v5 =	vsel vm4, v5, v7;
	vm4 =	vlt.s32 v11, v12;
	v14 =	vperm.xlane v6, v1  }
0xac: {  	v10 =	vperm.xlane v5, v2;
	v11 =	vsel vm4, v11, v12;
	vm4 =	vlt.s32 v9, v8  }
0xad: {  	v12 =	vperm.xlane v11, v1;
	vm5 =	vlt.s32 v6, v14;
	v8 =	vsel vm4, v9, v8;
	v9 =	vpop (erf)  }
0xae: {  	vm4 =	vlt.s32 v5, v10;
	v6 =	vsel vm5, v6, v14;
	v18 =	vadd.f32 $1.000000000e+00, v9;
	v7 =	vpop (erf)  }
0xaf: {  	v5 =	vsel vm4, v5, v10;
	v14 =	vperm.xlane v6, v2;
	v10 =	vadd.f32 $1.000000000e+00, v7;
	v15 =	vpop (erf)  }
0xb0: {  	v16 =	vperm.xlane v5, v3;
	v17 =	vadd.f32 $1.000000000e+00, v15;
	(erf) = vrcp.f32 v18;
	v13 =	vpop (erf)  }
0xb1: {  	v19 =	vperm.xlane v8, v2;
	v18 =	vadd.f32 $1.000000000e+00, v13;
	(erf) = vrcp.f32 v10  }
0xb2: {  	vm5 =	vlt.s32 v11, v12;
	vm4 =	vlt.s32 v5, v16;
	(erf) = vrcp.f32 v17  }
0xb3: {  	v10 =	vsel vm4, v5, v16;
	vm4 =	vlt.s32 v8, v19;
	(erf) = vrcp.f32 v18  }
0xb4: {  	v5 =	vsel vm5, v11, v12;
	vm5 =	vlt.s32 v6, v14;
	v8 =	vsel vm4, v8, v19  }
0xb5: {  	v11 =	vperm.xlane v5, v2;
	v6 =	vsel vm5, v6, v14;
	v12 =	vperm.xlane v8, v3  }
0xb6: {  	v14 =	vperm.xlane v6, v3  }
0xb7: {  	vm4 =	vlt.s32 v5, v11;
	vm5 =	vlt.s32 v8, v12  }
0xb8: {  	v11 =	vsel vm4, v5, v11;
	vm4 =	vlt.s32 v6, v14;
	v16 =	vsel vm5, v8, v12  }
0xb9: {  	v12 =	vperm.xlane v11, v3;
	v14 =	vsel vm4, v6, v14;
	v5 =	vpop (erf)  }
0xba: {  	vm4 =	veq.s32 v16, v4;
	v6 =	vmul.f32 v5, v9;
	v5 =	vnsel vm3, $0x0, v5;
	v8 =	vpop (erf)  }
.Ltmp1:
0xbb: {  	vm5 =	vlt.s32 v11, v12;
	vm3 =	veq.s32 v10, v4;
	v9 =	vmul.f32 v8, v7;
	v7 =	vpop (erf);
	(pc) =	sbr.rel @p0 .LBB2_1-.Ltmp1, $4  }
0xbc: {  	v10 =	vsel vm5, v11, v12;
	v11 =	vmul.f32 v7, v15;
	v12 =	vnsel vm2, $0x0, v7;
	v7 =	vpop (erf)  }
0xbd: {  	v8 =	vnsel vm1, $0x0, v8;
	vm2 =	veq.s32 v10, v4;
	v13 =	vmul.f32 v7, v13  }
0xbe: {  	vm1 =	veq.s32 v14, v4;
	v9 =	vnsel vm2, $0x0, v9;
	v11 =	vnsel vm4, $0x0, v11  }
0xbf: {  	v10 =	vadd.f32 v9, v8;
	v8 =	vnsel vm1, $0x0, v13;
	v9 =	vadd.f32 v11, v12  }
.LBB2_2:
0xc0: {  	v0 =	vnsel vm3, $0x0, v6  }
0xc1: {  	v1 =	vnsel vm0, $0x0, v7;
	v0 =	vadd.f32 v0, v5;
	[tilespmem:$0x280] =	vst v10  }
0xc2: {  	v1 =	vadd.f32 v8, v1;
	[tilespmem:$0x380] =	vst v9  }
0xc3: {  	[tilespmem:$0x200] =	vst v0  }
0xc4: {  	[tilespmem:$0x300] =	vst v1  }
0xc5: {  	[hbm4b:s5+s2] =	stream.linear.scatter [tilespmem:s6], [sflag:$0x1], $0x200, $0x38;
	[tilespmem:$0x400] =	vst v63  }
0xc6: {  	_ =	swait.ge [sflag:s3], $0x200  }
0xc7: {  	[sflag:s3] =	ssyncset.done $0x0  }
0xc8: {  	[sflag:s3] =	ssyncadd.s32 $0xFFFFFE00  }
0xc9: {  	_ =	sfence.sel $0x180000  }
0xca: {  	[bflag:$0x0] =	sbarrier.arrive $0xFFFF  }
0xcb: {  	p0 =	sne.s32 s1, $0x0;
	_ =	strace $0x90000047  }
0xcc: {  	s0 =	sadd.s32 @!p0 $0x100000, s0;
	[bflag:$0x2] =	sbarrier.arrive $0xFFFF  }
0xcd: {  	[sflag:s0] =	ssyncadd.tile.s32 @!p0 $0x1;
	_ =	shalt  }
.Lfunc_end2:
_tile_overlayer_lowered:
.L_overlay_start_2:
0xce: {  	(tag) =	ssettag $0x2  }
0xcf: {  	s0 =	rddreg [dreg:$0x0];
	s2 =	stileid.u32  }
0xd0: {  	s1 =	rddreg [dreg:$0x1];
	p0 =	sne.s32 s2, $0x0  }
0xd1: {  	s3 =	rddreg [dreg:$0x2];
	[bflag:$0x3] =	sbarrier.arrive $0xFFFF;
	s2 =	simm.s32 @!p0 $0x1C01  }
0xd2: {  	[timem:s3], [sflag:s2] =	dma.local @!p0 [hbm:s0], s1  }
0xd3: {  	s0 =	simm.s32 @!p0 $0x1  }
0xd4: {  	_ =	swait.ge @!p0 [sflag:s0], s1  }
0xd5: {  	s1 =	ssub.s32 @!p0 $0x0, s1;
	[sflag:s0] =	ssyncset.done @!p0 $0x0  }
0xd6: {  	[sflag:s0] =	ssyncadd.s32 @!p0 s1  }
0xd7: {  	[bflag:$0x3] =	sbarrier.arrive $0xFFFF  }
0xd8: {  	_ =	shalt  }

</sc_bundles>
